<compile_context>
chip_gen: v7x
topology: tpu7x:2x2x1
jax: 0.10.2.dev20260603
libtpu: 0.0.44.dev20260713+nightly
codegen_flags: <defaults>
</compile_context>

<pallas_src>
import functools

import jax
import jax.numpy as jnp
from jax import lax
from jax.experimental import pallas as pl
from jax.experimental.pallas import tpu as pltpu
from jax.experimental.pallas import tpu_sc as plsc

_N = 10000
_NS = 5000
_R, _C = 8, 1280
_PAD = _R * _C



_BIG = 3.0e38
_RR = _PAD // 128
_G = _RR // 8


def _fps_kernel(px_ref, py_ref, pz_ref, d0_ref,
                cxr_ref, cyr_ref, czr_ref, sel_ref):
    px = px_ref[...]
    py = py_ref[...]
    pz = pz_ref[...]
    flat_f = (lax.broadcasted_iota(jnp.int32, (_RR, 128), 0) * 128
              + lax.broadcasted_iota(jnp.int32, (_RR, 128), 1)
              ).astype(jnp.float32) + 8388608.0

    sel_ref[0:1, :] = jnp.zeros((1, 1), jnp.int32)

    def body(i, carry):
        dists, cx, cy, cz = carry
        dx = px - cx
        dy = py - cy
        dz = pz - cz
        d = (dx * dx + dy * dy) + dz * dz
        dists = jnp.minimum(dists, d)
        items = [(dists[g * 8:(g + 1) * 8, :], flat_f[g * 8:(g + 1) * 8, :])
                 for g in range(_G)]
        while len(items) > 1:
            nitems = []
            for k in range(0, len(items) - 1, 2):
                (va, ia), (vb, ib) = items[k], items[k + 1]
                nitems.append((jnp.maximum(va, vb),
                               jnp.where(vb > va, ib, ia)))
            if len(items) % 2:
                nitems.append(items[-1])
            items = nitems
        v8, i8 = items[0]
        t = v8
        for sh in (4, 2, 1):
            t = jnp.maximum(t, pltpu.roll(t, sh, 0))
        mx = jnp.max(t, axis=1, keepdims=True)
        nxt_f = jnp.min(jnp.where(v8 == mx, i8, _BIG))
        nxt = lax.bitcast_convert_type(nxt_f, jnp.int32) & 0x7FFFFF
        sel_ref[pl.ds(i, 1), :] = jnp.broadcast_to(nxt, (1, 1))
        cx = cxr_ref[pl.ds(nxt, 1), :]
        cy = cyr_ref[pl.ds(nxt, 1), :]
        cz = czr_ref[pl.ds(nxt, 1), :]
        return dists, cx, cy, cz

    c0 = (cxr_ref[0:1, :], cyr_ref[0:1, :], czr_ref[0:1, :])
    lax.fori_loop(1, _NS, body, (d0_ref[...],) + c0)


def _run_fps(pos):
    posp = jnp.pad(pos, ((0, _PAD - _N), (0, 0)))
    px = posp[:, 0].reshape(_RR, 128)
    py = posp[:, 1].reshape(_RR, 128)
    pz = posp[:, 2].reshape(_RR, 128)
    pxr = jnp.broadcast_to(posp[:, 0:1], (_PAD, 128))
    pyr = jnp.broadcast_to(posp[:, 1:2], (_PAD, 128))
    pzr = jnp.broadcast_to(posp[:, 2:3], (_PAD, 128))
    valid = (lax.broadcasted_iota(jnp.int32, (_RR, 128), 0) * 128
             + lax.broadcasted_iota(jnp.int32, (_RR, 128), 1)) < _N
    d0 = jnp.where(valid, jnp.inf, -jnp.inf).astype(jnp.float32)
    sel = pl.pallas_call(
        _fps_kernel,
        out_shape=jax.ShapeDtypeStruct((_NS, 1), jnp.int32),
    )(px, py, pz, d0, pxr, pyr, pzr)
    return sel.reshape(_NS)



_NC, _NSUB = 2, 16
_NW = _NC * _NSUB
_CHUNK = 80
_WROWS = 2 * _CHUNK


def _sc_gather_body(x_hbm, pos_hbm, bat_hbm, idx_hbm,
                    xo_hbm, po_hbm, bo_hbm,
                    idx_v, xb, pb, bb, *sems):
    wid = lax.axis_index("s") * _NC + lax.axis_index("c")
    base = jnp.minimum(wid * _WROWS, _NS - _WROWS)

    for j in range(2):
        pltpu.sync_copy(idx_hbm.at[pl.ds(base + j * _CHUNK, _CHUNK)],
                        idx_v.at[j])

    tabs = (x_hbm, pos_hbm, bat_hbm)
    bufs = (xb, pb, bb)
    outs = (xo_hbm, po_hbm, bo_hbm)
    cps = []
    k = 0
    for j in range(2):
        for t in range(3):
            cps.append(pltpu.async_copy(tabs[t].at[idx_v.at[j]],
                                        bufs[t].at[j], sems[k]))
            k += 1
    k = 0
    for j in range(2):
        for t in range(3):
            cps[k].wait()
            k += 1
            pltpu.sync_copy(bufs[t].at[j],
                            outs[t].at[pl.ds(base + j * _CHUNK, _CHUNK)])


@functools.lru_cache(maxsize=1)
def _sc_gather():
    return pl.kernel(
        _sc_gather_body,
        out_type=(
            jax.ShapeDtypeStruct((_NS, 128), jnp.float32),
            jax.ShapeDtypeStruct((_NS, 16), jnp.float32),
            jax.ShapeDtypeStruct((_NS, 16), jnp.int32),
        ),
        mesh=plsc.VectorSubcoreMesh(core_axis_name="c", subcore_axis_name="s"),
        scratch_types=[
            pltpu.VMEM((2, _CHUNK), jnp.int32),
            pltpu.VMEM((2, _CHUNK, 128), jnp.float32),
            pltpu.VMEM((2, _CHUNK, 16), jnp.float32),
            pltpu.VMEM((2, _CHUNK, 16), jnp.int32),
        ] + [pltpu.SemaphoreType.DMA] * 6,
        compiler_params=pltpu.CompilerParams(use_tc_tiling_on_sc=False),
    )




@jax.jit
def kernel(x, pos, batch):
    idx = _run_fps(pos)
    pos16 = jnp.pad(pos, ((0, 0), (0, 13)))
    bat16 = jnp.pad(batch[:, None], ((0, 0), (0, 15)))
    xo, po, bo = _sc_gather()(x, pos16, bat16, idx)
    return xo, po[:, :3], bo[:, 0]

# --- scband reference (transcript-rebuilt; emitter-appended) ---
"""Pipeline reference for scband-graph-pool-31147102830924 (READ-ONLY COPY).

The authoritative reference and input builder live on the scoring server;
editing this copy changes nothing except your own understanding.
"""

import jax, jax.numpy as jnp
import numpy as np

POOL_RATIO = 0.5
N_NODES = 10000
D_FEAT = 128


def setup_inputs(seed: int = 0) -> dict:
    key = jax.random.key(seed)
    k1, k2 = jax.random.split(key)
    x = jax.random.normal(k1, (N_NODES, D_FEAT), dtype=jnp.float32)
    pos = jax.random.normal(k2, (N_NODES, 3), dtype=jnp.float32)
    # single-graph batch vector (all zeros), as in torch_geometric Data.batch
    batch = jnp.zeros((N_NODES,), dtype=jnp.int32)
    return {"x": x, "pos": pos, "batch": batch}


def _fps(pos, n_samples):
    # Farthest point sampling (deterministic start at index 0),
    # faithful to torch_cluster.fps with random_start=False on a single graph.
    N = pos.shape[0]

    def body(i, carry):
        sel, dists, last = carry
        p = pos[last]
        d = jnp.sum((pos - p) ** 2, axis=-1)
        dists = jnp.minimum(dists, d)
        nxt = jnp.argmax(dists).astype(jnp.int32)
        sel = sel.at[i].set(nxt)
        return (sel, dists, nxt)

    sel0 = jnp.zeros((n_samples,), dtype=jnp.int32)
    dists0 = jnp.full((N,), jnp.inf, dtype=jnp.float32)
    last0 = jnp.int32(0)
    sel, _, _ = jax.lax.fori_loop(1, n_samples, body, (sel0, dists0, last0))
    return sel


def reference(x, pos, batch):
    n_samples = int(np.ceil(POOL_RATIO * pos.shape[0]))
    idx = _fps(pos, n_samples)
    # data.x, data.pos, data.batch = x[idx], pos[idx], batch[idx]
    return x[idx], pos[idx], batch[idx]

if __name__ == "__main__":
    import jax
    _d = setup_inputs()
    print(jax.jit(kernel)(*tuple(_d.values())))

</pallas_src>

<mosaic_0001>
#map = affine_map<(d0, d1) -> (0, 0)>
#map1 = affine_map<(d0, d1) -> (0)>
module attributes {stable_mosaic.version = 14 : i64} {
  func.func @_sc_gather_body(%arg0: i32, %arg1: i32, %arg2: memref<10000x128xf32, #tpu.memory_space<hbm>>, %arg3: memref<10000x16xf32, #tpu.memory_space<hbm>>, %arg4: memref<10000x16xi32, #tpu.memory_space<hbm>>, %arg5: memref<5000xi32, #tpu.memory_space<hbm>>, %arg6: memref<5000x128xf32, #tpu.memory_space<hbm>>, %arg7: memref<5000x16xf32, #tpu.memory_space<hbm>>, %arg8: memref<5000x16xi32, #tpu.memory_space<hbm>>, %arg9: memref<2x80xi32, #tpu.memory_space<vmem>>, %arg10: memref<2x80x128xf32, #tpu.memory_space<vmem>>, %arg11: memref<2x80x16xf32, #tpu.memory_space<vmem>>, %arg12: memref<2x80x16xi32, #tpu.memory_space<vmem>>, %arg13: memref<!tpu.dma_semaphore, #tpu.memory_space<semaphore_mem>>, %arg14: memref<!tpu.dma_semaphore, #tpu.memory_space<semaphore_mem>>, %arg15: memref<!tpu.dma_semaphore, #tpu.memory_space<semaphore_mem>>, %arg16: memref<!tpu.dma_semaphore, #tpu.memory_space<semaphore_mem>>, %arg17: memref<!tpu.dma_semaphore, #tpu.memory_space<semaphore_mem>>, %arg18: memref<!tpu.dma_semaphore, #tpu.memory_space<semaphore_mem>>) attributes {dimension_semantics = [#tpu.dimension_semantics<core_parallel>, #tpu.dimension_semantics<subcore_parallel>], iteration_bounds = array<i64: 2, 16>, scalar_prefetch = 0 : i64, scratch_operands = 10 : i64, tpu.core_type = #tpu.core_type<sc_vector_subcore>, window_params = [{transform_indices = #map}, {transform_indices = #map}, {transform_indices = #map}, {transform_indices = #map1}, {transform_indices = #map}, {transform_indices = #map}, {transform_indices = #map}]} {
    %mul3A = arith.constant 2 : i32
    %mul3A_0 = arith.muli %arg1, %mul3A : i32
    %add3A = arith.addi %mul3A_0, %arg0 : i32
    %mul3A_1 = arith.constant 160 : i32
    %mul3A_2 = arith.muli %add3A, %mul3A_1 : i32
    %min3A = arith.constant 4840 : i32
    %min3A_3 = arith.minsi %mul3A_2, %min3A : i32
    %add3A_4 = arith.constant 0 : i32
    %add3A_5 = arith.addi %min3A_3, %add3A_4 : i32
    %run_scoped3A = arith.constant 0 : i32
    "tpu.region"() ({
      %run_scoped3A_169 = tpu.sem_alloc : memref<!tpu.dma_semaphore, #tpu.memory_space<semaphore_mem>>
      %dma_start3A_170 = arith.constant 0 : i32
      %dma_start3A_171 = tpu.memref_slice %arg9[%run_scoped3A, %dma_start3A_170] : memref<2x80xi32, #tpu.memory_space<vmem>> -> memref<1x80xi32, #tpu.memory_space<vmem>>
      %dma_start3A_172 = tpu.memref_squeeze %dma_start3A_171 : memref<1x80xi32, #tpu.memory_space<vmem>> -> memref<80xi32, #tpu.memory_space<vmem>>
      %dma_start3A_173 = tpu.memref_slice %arg5[%add3A_5] : memref<5000xi32, #tpu.memory_space<hbm>> -> memref<80xi32, #tpu.memory_space<hbm>>
      %dma_start3A_174 = arith.constant 0 : i32
      %dma_start3A_175 = tpu.memref_slice %arg9[%run_scoped3A, %dma_start3A_174] : memref<2x80xi32, #tpu.memory_space<vmem>> -> memref<1x80xi32, #tpu.memory_space<vmem>>
      %dma_start3A_176 = tpu.memref_squeeze %dma_start3A_175 : memref<1x80xi32, #tpu.memory_space<vmem>> -> memref<80xi32, #tpu.memory_space<vmem>>
      %dma_start3A_177 = tpu.memref_slice %arg5[%add3A_5] : memref<5000xi32, #tpu.memory_space<hbm>> -> memref<80xi32, #tpu.memory_space<hbm>>
      tpu.enqueue_dma source(%dma_start3A_177 : memref<80xi32, #tpu.memory_space<hbm>>) target(%dma_start3A_176 : memref<80xi32, #tpu.memory_space<vmem>>) target_semaphore(%run_scoped3A_169 : memref<!tpu.dma_semaphore, #tpu.memory_space<semaphore_mem>>)
      %dma_wait3A_178 = arith.constant 0 : i32
      %dma_wait3A_179 = tpu.memref_slice %arg9[%run_scoped3A, %dma_wait3A_178] : memref<2x80xi32, #tpu.memory_space<vmem>> -> memref<1x80xi32, #tpu.memory_space<vmem>>
      %dma_wait3A_180 = tpu.memref_squeeze %dma_wait3A_179 : memref<1x80xi32, #tpu.memory_space<vmem>> -> memref<80xi32, #tpu.memory_space<vmem>>
      %dma_wait3A_181 = tpu.memref_slice %arg5[%add3A_5] : memref<5000xi32, #tpu.memory_space<hbm>> -> memref<80xi32, #tpu.memory_space<hbm>>
      %dma_wait3A_182 = arith.constant 0 : i32
      %dma_wait3A_183 = tpu.memref_slice %arg9[%run_scoped3A, %dma_wait3A_182] : memref<2x80xi32, #tpu.memory_space<vmem>> -> memref<1x80xi32, #tpu.memory_space<vmem>>
      %dma_wait3A_184 = tpu.memref_squeeze %dma_wait3A_183 : memref<1x80xi32, #tpu.memory_space<vmem>> -> memref<80xi32, #tpu.memory_space<vmem>>
      %dma_wait3A_185 = tpu.memref_slice %arg5[%add3A_5] : memref<5000xi32, #tpu.memory_space<hbm>> -> memref<80xi32, #tpu.memory_space<hbm>>
      tpu.wait_dma2 semaphore(%run_scoped3A_169 : memref<!tpu.dma_semaphore, #tpu.memory_space<semaphore_mem>>) src(%dma_wait3A_185 : memref<80xi32, #tpu.memory_space<hbm>>) dst(%dma_wait3A_184 : memref<80xi32, #tpu.memory_space<vmem>>)
      tpu.yield
    }) : () -> ()
    %add3A_6 = arith.constant 80 : i32
    %add3A_7 = arith.addi %min3A_3, %add3A_6 : i32
    %run_scoped3A_8 = arith.constant 1 : i32
    "tpu.region"() ({
      %run_scoped3A_169 = tpu.sem_alloc : memref<!tpu.dma_semaphore, #tpu.memory_space<semaphore_mem>>
      %dma_start3A_170 = arith.constant 0 : i32
      %dma_start3A_171 = tpu.memref_slice %arg9[%run_scoped3A_8, %dma_start3A_170] : memref<2x80xi32, #tpu.memory_space<vmem>> -> memref<1x80xi32, #tpu.memory_space<vmem>>
      %dma_start3A_172 = tpu.memref_squeeze %dma_start3A_171 : memref<1x80xi32, #tpu.memory_space<vmem>> -> memref<80xi32, #tpu.memory_space<vmem>>
      %dma_start3A_173 = tpu.memref_slice %arg5[%add3A_7] : memref<5000xi32, #tpu.memory_space<hbm>> -> memref<80xi32, #tpu.memory_space<hbm>>
      %dma_start3A_174 = arith.constant 0 : i32
      %dma_start3A_175 = tpu.memref_slice %arg9[%run_scoped3A_8, %dma_start3A_174] : memref<2x80xi32, #tpu.memory_space<vmem>> -> memref<1x80xi32, #tpu.memory_space<vmem>>
      %dma_start3A_176 = tpu.memref_squeeze %dma_start3A_175 : memref<1x80xi32, #tpu.memory_space<vmem>> -> memref<80xi32, #tpu.memory_space<vmem>>
      %dma_start3A_177 = tpu.memref_slice %arg5[%add3A_7] : memref<5000xi32, #tpu.memory_space<hbm>> -> memref<80xi32, #tpu.memory_space<hbm>>
      tpu.enqueue_dma source(%dma_start3A_177 : memref<80xi32, #tpu.memory_space<hbm>>) target(%dma_start3A_176 : memref<80xi32, #tpu.memory_space<vmem>>) target_semaphore(%run_scoped3A_169 : memref<!tpu.dma_semaphore, #tpu.memory_space<semaphore_mem>>)
      %dma_wait3A_178 = arith.constant 0 : i32
      %dma_wait3A_179 = tpu.memref_slice %arg9[%run_scoped3A_8, %dma_wait3A_178] : memref<2x80xi32, #tpu.memory_space<vmem>> -> memref<1x80xi32, #tpu.memory_space<vmem>>
      %dma_wait3A_180 = tpu.memref_squeeze %dma_wait3A_179 : memref<1x80xi32, #tpu.memory_space<vmem>> -> memref<80xi32, #tpu.memory_space<vmem>>
      %dma_wait3A_181 = tpu.memref_slice %arg5[%add3A_7] : memref<5000xi32, #tpu.memory_space<hbm>> -> memref<80xi32, #tpu.memory_space<hbm>>
      %dma_wait3A_182 = arith.constant 0 : i32
      %dma_wait3A_183 = tpu.memref_slice %arg9[%run_scoped3A_8, %dma_wait3A_182] : memref<2x80xi32, #tpu.memory_space<vmem>> -> memref<1x80xi32, #tpu.memory_space<vmem>>
      %dma_wait3A_184 = tpu.memref_squeeze %dma_wait3A_183 : memref<1x80xi32, #tpu.memory_space<vmem>> -> memref<80xi32, #tpu.memory_space<vmem>>
      %dma_wait3A_185 = tpu.memref_slice %arg5[%add3A_7] : memref<5000xi32, #tpu.memory_space<hbm>> -> memref<80xi32, #tpu.memory_space<hbm>>
      tpu.wait_dma2 semaphore(%run_scoped3A_169 : memref<!tpu.dma_semaphore, #tpu.memory_space<semaphore_mem>>) src(%dma_wait3A_185 : memref<80xi32, #tpu.memory_space<hbm>>) dst(%dma_wait3A_184 : memref<80xi32, #tpu.memory_space<vmem>>)
      tpu.yield
    }) : () -> ()
    %dma_start3A = arith.constant 0 : i32
    %dma_start3A_9 = arith.constant 0 : i32
    %dma_start3A_10 = arith.constant 0 : i32
    %dma_start3A_11 = arith.constant 0 : i32
    %dma_start3A_12 = tpu.memref_slice %arg10[%dma_start3A_9, %dma_start3A_10, %dma_start3A_11] : memref<2x80x128xf32, #tpu.memory_space<vmem>> -> memref<1x80x128xf32, #tpu.memory_space<vmem>>
    %dma_start3A_13 = tpu.memref_squeeze %dma_start3A_12 : memref<1x80x128xf32, #tpu.memory_space<vmem>> -> memref<80x128xf32, #tpu.memory_space<vmem>>
    %dma_start3A_14 = arith.constant 0 : i32
    %dma_start3A_15 = tpu.memref_slice %arg9[%dma_start3A, %dma_start3A_14] : memref<2x80xi32, #tpu.memory_space<vmem>> -> memref<1x80xi32, #tpu.memory_space<vmem>>
    %dma_start3A_16 = tpu.memref_squeeze %dma_start3A_15 : memref<1x80xi32, #tpu.memory_space<vmem>> -> memref<80xi32, #tpu.memory_space<vmem>>
    %dma_start3A_17 = arith.constant 0 : i32
    %dma_start3A_18 = arith.constant 0 : i32
    %dma_start3A_19 = tpu.memref_slice %arg2[%dma_start3A_17, %dma_start3A_18] : memref<10000x128xf32, #tpu.memory_space<hbm>> -> memref<10000x128xf32, #tpu.memory_space<hbm>>
    tpu.enqueue_indirect_dma source(%dma_start3A_19 : memref<10000x128xf32, #tpu.memory_space<hbm>>) target(%dma_start3A_13 : memref<80x128xf32, #tpu.memory_space<vmem>>) offsets(%dma_start3A_16 : memref<80xi32, #tpu.memory_space<vmem>>) semaphore(%arg13 : memref<!tpu.dma_semaphore, #tpu.memory_space<semaphore_mem>>)
    %dma_start3A_20 = arith.constant 0 : i32
    %dma_start3A_21 = arith.constant 0 : i32
    %dma_start3A_22 = arith.constant 0 : i32
    %dma_start3A_23 = arith.constant 0 : i32
    %dma_start3A_24 = tpu.memref_slice %arg11[%dma_start3A_21, %dma_start3A_22, %dma_start3A_23] : memref<2x80x16xf32, #tpu.memory_space<vmem>> -> memref<1x80x16xf32, #tpu.memory_space<vmem>>
    %dma_start3A_25 = tpu.memref_squeeze %dma_start3A_24 : memref<1x80x16xf32, #tpu.memory_space<vmem>> -> memref<80x16xf32, #tpu.memory_space<vmem>>
    %dma_start3A_26 = arith.constant 0 : i32
    %dma_start3A_27 = tpu.memref_slice %arg9[%dma_start3A_20, %dma_start3A_26] : memref<2x80xi32, #tpu.memory_space<vmem>> -> memref<1x80xi32, #tpu.memory_space<vmem>>
    %dma_start3A_28 = tpu.memref_squeeze %dma_start3A_27 : memref<1x80xi32, #tpu.memory_space<vmem>> -> memref<80xi32, #tpu.memory_space<vmem>>
    %dma_start3A_29 = arith.constant 0 : i32
    %dma_start3A_30 = arith.constant 0 : i32
    %dma_start3A_31 = tpu.memref_slice %arg3[%dma_start3A_29, %dma_start3A_30] : memref<10000x16xf32, #tpu.memory_space<hbm>> -> memref<10000x16xf32, #tpu.memory_space<hbm>>
    tpu.enqueue_indirect_dma source(%dma_start3A_31 : memref<10000x16xf32, #tpu.memory_space<hbm>>) target(%dma_start3A_25 : memref<80x16xf32, #tpu.memory_space<vmem>>) offsets(%dma_start3A_28 : memref<80xi32, #tpu.memory_space<vmem>>) semaphore(%arg14 : memref<!tpu.dma_semaphore, #tpu.memory_space<semaphore_mem>>)
    %dma_start3A_32 = arith.constant 0 : i32
    %dma_start3A_33 = arith.constant 0 : i32
    %dma_start3A_34 = arith.constant 0 : i32
    %dma_start3A_35 = arith.constant 0 : i32
    %dma_start3A_36 = tpu.memref_slice %arg12[%dma_start3A_33, %dma_start3A_34, %dma_start3A_35] : memref<2x80x16xi32, #tpu.memory_space<vmem>> -> memref<1x80x16xi32, #tpu.memory_space<vmem>>
    %dma_start3A_37 = tpu.memref_squeeze %dma_start3A_36 : memref<1x80x16xi32, #tpu.memory_space<vmem>> -> memref<80x16xi32, #tpu.memory_space<vmem>>
    %dma_start3A_38 = arith.constant 0 : i32
    %dma_start3A_39 = tpu.memref_slice %arg9[%dma_start3A_32, %dma_start3A_38] : memref<2x80xi32, #tpu.memory_space<vmem>> -> memref<1x80xi32, #tpu.memory_space<vmem>>
    %dma_start3A_40 = tpu.memref_squeeze %dma_start3A_39 : memref<1x80xi32, #tpu.memory_space<vmem>> -> memref<80xi32, #tpu.memory_space<vmem>>
    %dma_start3A_41 = arith.constant 0 : i32
    %dma_start3A_42 = arith.constant 0 : i32
    %dma_start3A_43 = tpu.memref_slice %arg4[%dma_start3A_41, %dma_start3A_42] : memref<10000x16xi32, #tpu.memory_space<hbm>> -> memref<10000x16xi32, #tpu.memory_space<hbm>>
    tpu.enqueue_indirect_dma source(%dma_start3A_43 : memref<10000x16xi32, #tpu.memory_space<hbm>>) target(%dma_start3A_37 : memref<80x16xi32, #tpu.memory_space<vmem>>) offsets(%dma_start3A_40 : memref<80xi32, #tpu.memory_space<vmem>>) semaphore(%arg15 : memref<!tpu.dma_semaphore, #tpu.memory_space<semaphore_mem>>)
    %dma_start3A_44 = arith.constant 1 : i32
    %dma_start3A_45 = arith.constant 1 : i32
    %dma_start3A_46 = arith.constant 0 : i32
    %dma_start3A_47 = arith.constant 0 : i32
    %dma_start3A_48 = tpu.memref_slice %arg10[%dma_start3A_45, %dma_start3A_46, %dma_start3A_47] : memref<2x80x128xf32, #tpu.memory_space<vmem>> -> memref<1x80x128xf32, #tpu.memory_space<vmem>>
    %dma_start3A_49 = tpu.memref_squeeze %dma_start3A_48 : memref<1x80x128xf32, #tpu.memory_space<vmem>> -> memref<80x128xf32, #tpu.memory_space<vmem>>
    %dma_start3A_50 = arith.constant 0 : i32
    %dma_start3A_51 = tpu.memref_slice %arg9[%dma_start3A_44, %dma_start3A_50] : memref<2x80xi32, #tpu.memory_space<vmem>> -> memref<1x80xi32, #tpu.memory_space<vmem>>
    %dma_start3A_52 = tpu.memref_squeeze %dma_start3A_51 : memref<1x80xi32, #tpu.memory_space<vmem>> -> memref<80xi32, #tpu.memory_space<vmem>>
    %dma_start3A_53 = arith.constant 0 : i32
    %dma_start3A_54 = arith.constant 0 : i32
    %dma_start3A_55 = tpu.memref_slice %arg2[%dma_start3A_53, %dma_start3A_54] : memref<10000x128xf32, #tpu.memory_space<hbm>> -> memref<10000x128xf32, #tpu.memory_space<hbm>>
    tpu.enqueue_indirect_dma source(%dma_start3A_55 : memref<10000x128xf32, #tpu.memory_space<hbm>>) target(%dma_start3A_49 : memref<80x128xf32, #tpu.memory_space<vmem>>) offsets(%dma_start3A_52 : memref<80xi32, #tpu.memory_space<vmem>>) semaphore(%arg16 : memref<!tpu.dma_semaphore, #tpu.memory_space<semaphore_mem>>)
    %dma_start3A_56 = arith.constant 1 : i32
    %dma_start3A_57 = arith.constant 1 : i32
    %dma_start3A_58 = arith.constant 0 : i32
    %dma_start3A_59 = arith.constant 0 : i32
    %dma_start3A_60 = tpu.memref_slice %arg11[%dma_start3A_57, %dma_start3A_58, %dma_start3A_59] : memref<2x80x16xf32, #tpu.memory_space<vmem>> -> memref<1x80x16xf32, #tpu.memory_space<vmem>>
    %dma_start3A_61 = tpu.memref_squeeze %dma_start3A_60 : memref<1x80x16xf32, #tpu.memory_space<vmem>> -> memref<80x16xf32, #tpu.memory_space<vmem>>
    %dma_start3A_62 = arith.constant 0 : i32
    %dma_start3A_63 = tpu.memref_slice %arg9[%dma_start3A_56, %dma_start3A_62] : memref<2x80xi32, #tpu.memory_space<vmem>> -> memref<1x80xi32, #tpu.memory_space<vmem>>
    %dma_start3A_64 = tpu.memref_squeeze %dma_start3A_63 : memref<1x80xi32, #tpu.memory_space<vmem>> -> memref<80xi32, #tpu.memory_space<vmem>>
    %dma_start3A_65 = arith.constant 0 : i32
    %dma_start3A_66 = arith.constant 0 : i32
    %dma_start3A_67 = tpu.memref_slice %arg3[%dma_start3A_65, %dma_start3A_66] : memref<10000x16xf32, #tpu.memory_space<hbm>> -> memref<10000x16xf32, #tpu.memory_space<hbm>>
    tpu.enqueue_indirect_dma source(%dma_start3A_67 : memref<10000x16xf32, #tpu.memory_space<hbm>>) target(%dma_start3A_61 : memref<80x16xf32, #tpu.memory_space<vmem>>) offsets(%dma_start3A_64 : memref<80xi32, #tpu.memory_space<vmem>>) semaphore(%arg17 : memref<!tpu.dma_semaphore, #tpu.memory_space<semaphore_mem>>)
    %dma_start3A_68 = arith.constant 1 : i32
    %dma_start3A_69 = arith.constant 1 : i32
    %dma_start3A_70 = arith.constant 0 : i32
    %dma_start3A_71 = arith.constant 0 : i32
    %dma_start3A_72 = tpu.memref_slice %arg12[%dma_start3A_69, %dma_start3A_70, %dma_start3A_71] : memref<2x80x16xi32, #tpu.memory_space<vmem>> -> memref<1x80x16xi32, #tpu.memory_space<vmem>>
    %dma_start3A_73 = tpu.memref_squeeze %dma_start3A_72 : memref<1x80x16xi32, #tpu.memory_space<vmem>> -> memref<80x16xi32, #tpu.memory_space<vmem>>
    %dma_start3A_74 = arith.constant 0 : i32
    %dma_start3A_75 = tpu.memref_slice %arg9[%dma_start3A_68, %dma_start3A_74] : memref<2x80xi32, #tpu.memory_space<vmem>> -> memref<1x80xi32, #tpu.memory_space<vmem>>
    %dma_start3A_76 = tpu.memref_squeeze %dma_start3A_75 : memref<1x80xi32, #tpu.memory_space<vmem>> -> memref<80xi32, #tpu.memory_space<vmem>>
    %dma_start3A_77 = arith.constant 0 : i32
    %dma_start3A_78 = arith.constant 0 : i32
    %dma_start3A_79 = tpu.memref_slice %arg4[%dma_start3A_77, %dma_start3A_78] : memref<10000x16xi32, #tpu.memory_space<hbm>> -> memref<10000x16xi32, #tpu.memory_space<hbm>>
    tpu.enqueue_indirect_dma source(%dma_start3A_79 : memref<10000x16xi32, #tpu.memory_space<hbm>>) target(%dma_start3A_73 : memref<80x16xi32, #tpu.memory_space<vmem>>) offsets(%dma_start3A_76 : memref<80xi32, #tpu.memory_space<vmem>>) semaphore(%arg18 : memref<!tpu.dma_semaphore, #tpu.memory_space<semaphore_mem>>)
    %dma_wait3A = arith.constant 0 : i32
    %dma_wait3A_80 = arith.constant 0 : i32
    %dma_wait3A_81 = arith.constant 0 : i32
    %dma_wait3A_82 = arith.constant 0 : i32
    %dma_wait3A_83 = tpu.memref_slice %arg10[%dma_wait3A_80, %dma_wait3A_81, %dma_wait3A_82] : memref<2x80x128xf32, #tpu.memory_space<vmem>> -> memref<1x80x128xf32, #tpu.memory_space<vmem>>
    %dma_wait3A_84 = tpu.memref_squeeze %dma_wait3A_83 : memref<1x80x128xf32, #tpu.memory_space<vmem>> -> memref<80x128xf32, #tpu.memory_space<vmem>>
    %dma_wait3A_85 = arith.constant 0 : i32
    %dma_wait3A_86 = tpu.memref_slice %arg9[%dma_wait3A, %dma_wait3A_85] : memref<2x80xi32, #tpu.memory_space<vmem>> -> memref<1x80xi32, #tpu.memory_space<vmem>>
    %dma_wait3A_87 = tpu.memref_squeeze %dma_wait3A_86 : memref<1x80xi32, #tpu.memory_space<vmem>> -> memref<80xi32, #tpu.memory_space<vmem>>
    %dma_wait3A_88 = arith.constant 0 : i32
    %dma_wait3A_89 = arith.constant 0 : i32
    %dma_wait3A_90 = tpu.memref_slice %arg2[%dma_wait3A_88, %dma_wait3A_89] : memref<10000x128xf32, #tpu.memory_space<hbm>> -> memref<10000x128xf32, #tpu.memory_space<hbm>>
    tpu.wait_indirect_dma semaphore(%arg13 : memref<!tpu.dma_semaphore, #tpu.memory_space<semaphore_mem>>) src(%dma_wait3A_90 : memref<10000x128xf32, #tpu.memory_space<hbm>>) dst(%dma_wait3A_84 : memref<80x128xf32, #tpu.memory_space<vmem>>)
    %add3A_91 = arith.constant 0 : i32
    %add3A_92 = arith.addi %min3A_3, %add3A_91 : i32
    %run_scoped3A_93 = arith.constant 0 : i32
    "tpu.region"() ({
      %run_scoped3A_169 = tpu.sem_alloc : memref<!tpu.dma_semaphore, #tpu.memory_space<semaphore_mem>>
      %dma_start3A_170 = arith.constant 0 : i32
      %dma_start3A_171 = arith.constant 0 : i32
      %dma_start3A_172 = tpu.memref_slice %arg10[%run_scoped3A_93, %dma_start3A_170, %dma_start3A_171] : memref<2x80x128xf32, #tpu.memory_space<vmem>> -> memref<1x80x128xf32, #tpu.memory_space<vmem>>
      %dma_start3A_173 = tpu.memref_squeeze %dma_start3A_172 : memref<1x80x128xf32, #tpu.memory_space<vmem>> -> memref<80x128xf32, #tpu.memory_space<vmem>>
      %dma_start3A_174 = arith.constant 0 : i32
      %dma_start3A_175 = tpu.memref_slice %arg6[%add3A_92, %dma_start3A_174] : memref<5000x128xf32, #tpu.memory_space<hbm>> -> memref<80x128xf32, #tpu.memory_space<hbm>>
      %dma_start3A_176 = arith.constant 0 : i32
      %dma_start3A_177 = tpu.memref_slice %arg6[%add3A_92, %dma_start3A_176] : memref<5000x128xf32, #tpu.memory_space<hbm>> -> memref<80x128xf32, #tpu.memory_space<hbm>>
      %dma_start3A_178 = arith.constant 0 : i32
      %dma_start3A_179 = arith.constant 0 : i32
      %dma_start3A_180 = tpu.memref_slice %arg10[%run_scoped3A_93, %dma_start3A_178, %dma_start3A_179] : memref<2x80x128xf32, #tpu.memory_space<vmem>> -> memref<1x80x128xf32, #tpu.memory_space<vmem>>
      %dma_start3A_181 = tpu.memref_squeeze %dma_start3A_180 : memref<1x80x128xf32, #tpu.memory_space<vmem>> -> memref<80x128xf32, #tpu.memory_space<vmem>>
      tpu.enqueue_dma source(%dma_start3A_181 : memref<80x128xf32, #tpu.memory_space<vmem>>) target(%dma_start3A_177 : memref<80x128xf32, #tpu.memory_space<hbm>>) target_semaphore(%run_scoped3A_169 : memref<!tpu.dma_semaphore, #tpu.memory_space<semaphore_mem>>)
      %dma_wait3A_182 = arith.constant 0 : i32
      %dma_wait3A_183 = arith.constant 0 : i32
      %dma_wait3A_184 = tpu.memref_slice %arg10[%run_scoped3A_93, %dma_wait3A_182, %dma_wait3A_183] : memref<2x80x128xf32, #tpu.memory_space<vmem>> -> memref<1x80x128xf32, #tpu.memory_space<vmem>>
      %dma_wait3A_185 = tpu.memref_squeeze %dma_wait3A_184 : memref<1x80x128xf32, #tpu.memory_space<vmem>> -> memref<80x128xf32, #tpu.memory_space<vmem>>
      %dma_wait3A_186 = arith.constant 0 : i32
      %dma_wait3A_187 = tpu.memref_slice %arg6[%add3A_92, %dma_wait3A_186] : memref<5000x128xf32, #tpu.memory_space<hbm>> -> memref<80x128xf32, #tpu.memory_space<hbm>>
      %dma_wait3A_188 = arith.constant 0 : i32
      %dma_wait3A_189 = tpu.memref_slice %arg6[%add3A_92, %dma_wait3A_188] : memref<5000x128xf32, #tpu.memory_space<hbm>> -> memref<80x128xf32, #tpu.memory_space<hbm>>
      %dma_wait3A_190 = arith.constant 0 : i32
      %dma_wait3A_191 = arith.constant 0 : i32
      %dma_wait3A_192 = tpu.memref_slice %arg10[%run_scoped3A_93, %dma_wait3A_190, %dma_wait3A_191] : memref<2x80x128xf32, #tpu.memory_space<vmem>> -> memref<1x80x128xf32, #tpu.memory_space<vmem>>
      %dma_wait3A_193 = tpu.memref_squeeze %dma_wait3A_192 : memref<1x80x128xf32, #tpu.memory_space<vmem>> -> memref<80x128xf32, #tpu.memory_space<vmem>>
      tpu.wait_dma2 semaphore(%run_scoped3A_169 : memref<!tpu.dma_semaphore, #tpu.memory_space<semaphore_mem>>) src(%dma_wait3A_193 : memref<80x128xf32, #tpu.memory_space<vmem>>) dst(%dma_wait3A_189 : memref<80x128xf32, #tpu.memory_space<hbm>>)
      tpu.yield
    }) : () -> ()
    %dma_wait3A_94 = arith.constant 0 : i32
    %dma_wait3A_95 = arith.constant 0 : i32
    %dma_wait3A_96 = arith.constant 0 : i32
    %dma_wait3A_97 = arith.constant 0 : i32
    %dma_wait3A_98 = tpu.memref_slice %arg11[%dma_wait3A_95, %dma_wait3A_96, %dma_wait3A_97] : memref<2x80x16xf32, #tpu.memory_space<vmem>> -> memref<1x80x16xf32, #tpu.memory_space<vmem>>
    %dma_wait3A_99 = tpu.memref_squeeze %dma_wait3A_98 : memref<1x80x16xf32, #tpu.memory_space<vmem>> -> memref<80x16xf32, #tpu.memory_space<vmem>>
    %dma_wait3A_100 = arith.constant 0 : i32
    %dma_wait3A_101 = tpu.memref_slice %arg9[%dma_wait3A_94, %dma_wait3A_100] : memref<2x80xi32, #tpu.memory_space<vmem>> -> memref<1x80xi32, #tpu.memory_space<vmem>>
    %dma_wait3A_102 = tpu.memref_squeeze %dma_wait3A_101 : memref<1x80xi32, #tpu.memory_space<vmem>> -> memref<80xi32, #tpu.memory_space<vmem>>
    %dma_wait3A_103 = arith.constant 0 : i32
    %dma_wait3A_104 = arith.constant 0 : i32
    %dma_wait3A_105 = tpu.memref_slice %arg3[%dma_wait3A_103, %dma_wait3A_104] : memref<10000x16xf32, #tpu.memory_space<hbm>> -> memref<10000x16xf32, #tpu.memory_space<hbm>>
    tpu.wait_indirect_dma semaphore(%arg14 : memref<!tpu.dma_semaphore, #tpu.memory_space<semaphore_mem>>) src(%dma_wait3A_105 : memref<10000x16xf32, #tpu.memory_space<hbm>>) dst(%dma_wait3A_99 : memref<80x16xf32, #tpu.memory_space<vmem>>)
    %add3A_106 = arith.constant 0 : i32
    %add3A_107 = arith.addi %min3A_3, %add3A_106 : i32
    %run_scoped3A_108 = arith.constant 0 : i32
    "tpu.region"() ({
      %run_scoped3A_169 = tpu.sem_alloc : memref<!tpu.dma_semaphore, #tpu.memory_space<semaphore_mem>>
      %dma_start3A_170 = arith.constant 0 : i32
      %dma_start3A_171 = arith.constant 0 : i32
      %dma_start3A_172 = tpu.memref_slice %arg11[%run_scoped3A_108, %dma_start3A_170, %dma_start3A_171] : memref<2x80x16xf32, #tpu.memory_space<vmem>> -> memref<1x80x16xf32, #tpu.memory_space<vmem>>
      %dma_start3A_173 = tpu.memref_squeeze %dma_start3A_172 : memref<1x80x16xf32, #tpu.memory_space<vmem>> -> memref<80x16xf32, #tpu.memory_space<vmem>>
      %dma_start3A_174 = arith.constant 0 : i32
      %dma_start3A_175 = tpu.memref_slice %arg7[%add3A_107, %dma_start3A_174] : memref<5000x16xf32, #tpu.memory_space<hbm>> -> memref<80x16xf32, #tpu.memory_space<hbm>>
      %dma_start3A_176 = arith.constant 0 : i32
      %dma_start3A_177 = tpu.memref_slice %arg7[%add3A_107, %dma_start3A_176] : memref<5000x16xf32, #tpu.memory_space<hbm>> -> memref<80x16xf32, #tpu.memory_space<hbm>>
      %dma_start3A_178 = arith.constant 0 : i32
      %dma_start3A_179 = arith.constant 0 : i32
      %dma_start3A_180 = tpu.memref_slice %arg11[%run_scoped3A_108, %dma_start3A_178, %dma_start3A_179] : memref<2x80x16xf32, #tpu.memory_space<vmem>> -> memref<1x80x16xf32, #tpu.memory_space<vmem>>
      %dma_start3A_181 = tpu.memref_squeeze %dma_start3A_180 : memref<1x80x16xf32, #tpu.memory_space<vmem>> -> memref<80x16xf32, #tpu.memory_space<vmem>>
      tpu.enqueue_dma source(%dma_start3A_181 : memref<80x16xf32, #tpu.memory_space<vmem>>) target(%dma_start3A_177 : memref<80x16xf32, #tpu.memory_space<hbm>>) target_semaphore(%run_scoped3A_169 : memref<!tpu.dma_semaphore, #tpu.memory_space<semaphore_mem>>)
      %dma_wait3A_182 = arith.constant 0 : i32
      %dma_wait3A_183 = arith.constant 0 : i32
      %dma_wait3A_184 = tpu.memref_slice %arg11[%run_scoped3A_108, %dma_wait3A_182, %dma_wait3A_183] : memref<2x80x16xf32, #tpu.memory_space<vmem>> -> memref<1x80x16xf32, #tpu.memory_space<vmem>>
      %dma_wait3A_185 = tpu.memref_squeeze %dma_wait3A_184 : memref<1x80x16xf32, #tpu.memory_space<vmem>> -> memref<80x16xf32, #tpu.memory_space<vmem>>
      %dma_wait3A_186 = arith.constant 0 : i32
      %dma_wait3A_187 = tpu.memref_slice %arg7[%add3A_107, %dma_wait3A_186] : memref<5000x16xf32, #tpu.memory_space<hbm>> -> memref<80x16xf32, #tpu.memory_space<hbm>>
      %dma_wait3A_188 = arith.constant 0 : i32
      %dma_wait3A_189 = tpu.memref_slice %arg7[%add3A_107, %dma_wait3A_188] : memref<5000x16xf32, #tpu.memory_space<hbm>> -> memref<80x16xf32, #tpu.memory_space<hbm>>
      %dma_wait3A_190 = arith.constant 0 : i32
      %dma_wait3A_191 = arith.constant 0 : i32
      %dma_wait3A_192 = tpu.memref_slice %arg11[%run_scoped3A_108, %dma_wait3A_190, %dma_wait3A_191] : memref<2x80x16xf32, #tpu.memory_space<vmem>> -> memref<1x80x16xf32, #tpu.memory_space<vmem>>
      %dma_wait3A_193 = tpu.memref_squeeze %dma_wait3A_192 : memref<1x80x16xf32, #tpu.memory_space<vmem>> -> memref<80x16xf32, #tpu.memory_space<vmem>>
      tpu.wait_dma2 semaphore(%run_scoped3A_169 : memref<!tpu.dma_semaphore, #tpu.memory_space<semaphore_mem>>) src(%dma_wait3A_193 : memref<80x16xf32, #tpu.memory_space<vmem>>) dst(%dma_wait3A_189 : memref<80x16xf32, #tpu.memory_space<hbm>>)
      tpu.yield
    }) : () -> ()
    %dma_wait3A_109 = arith.constant 0 : i32
    %dma_wait3A_110 = arith.constant 0 : i32
    %dma_wait3A_111 = arith.constant 0 : i32
    %dma_wait3A_112 = arith.constant 0 : i32
    %dma_wait3A_113 = tpu.memref_slice %arg12[%dma_wait3A_110, %dma_wait3A_111, %dma_wait3A_112] : memref<2x80x16xi32, #tpu.memory_space<vmem>> -> memref<1x80x16xi32, #tpu.memory_space<vmem>>
    %dma_wait3A_114 = tpu.memref_squeeze %dma_wait3A_113 : memref<1x80x16xi32, #tpu.memory_space<vmem>> -> memref<80x16xi32, #tpu.memory_space<vmem>>
    %dma_wait3A_115 = arith.constant 0 : i32
    %dma_wait3A_116 = tpu.memref_slice %arg9[%dma_wait3A_109, %dma_wait3A_115] : memref<2x80xi32, #tpu.memory_space<vmem>> -> memref<1x80xi32, #tpu.memory_space<vmem>>
    %dma_wait3A_117 = tpu.memref_squeeze %dma_wait3A_116 : memref<1x80xi32, #tpu.memory_space<vmem>> -> memref<80xi32, #tpu.memory_space<vmem>>
    %dma_wait3A_118 = arith.constant 0 : i32
    %dma_wait3A_119 = arith.constant 0 : i32
    %dma_wait3A_120 = tpu.memref_slice %arg4[%dma_wait3A_118, %dma_wait3A_119] : memref<10000x16xi32, #tpu.memory_space<hbm>> -> memref<10000x16xi32, #tpu.memory_space<hbm>>
    tpu.wait_indirect_dma semaphore(%arg15 : memref<!tpu.dma_semaphore, #tpu.memory_space<semaphore_mem>>) src(%dma_wait3A_120 : memref<10000x16xi32, #tpu.memory_space<hbm>>) dst(%dma_wait3A_114 : memref<80x16xi32, #tpu.memory_space<vmem>>)
    %add3A_121 = arith.constant 0 : i32
    %add3A_122 = arith.addi %min3A_3, %add3A_121 : i32
    %run_scoped3A_123 = arith.constant 0 : i32
    "tpu.region"() ({
      %run_scoped3A_169 = tpu.sem_alloc : memref<!tpu.dma_semaphore, #tpu.memory_space<semaphore_mem>>
      %dma_start3A_170 = arith.constant 0 : i32
      %dma_start3A_171 = arith.constant 0 : i32
      %dma_start3A_172 = tpu.memref_slice %arg12[%run_scoped3A_123, %dma_start3A_170, %dma_start3A_171] : memref<2x80x16xi32, #tpu.memory_space<vmem>> -> memref<1x80x16xi32, #tpu.memory_space<vmem>>
      %dma_start3A_173 = tpu.memref_squeeze %dma_start3A_172 : memref<1x80x16xi32, #tpu.memory_space<vmem>> -> memref<80x16xi32, #tpu.memory_space<vmem>>
      %dma_start3A_174 = arith.constant 0 : i32
      %dma_start3A_175 = tpu.memref_slice %arg8[%add3A_122, %dma_start3A_174] : memref<5000x16xi32, #tpu.memory_space<hbm>> -> memref<80x16xi32, #tpu.memory_space<hbm>>
      %dma_start3A_176 = arith.constant 0 : i32
      %dma_start3A_177 = tpu.memref_slice %arg8[%add3A_122, %dma_start3A_176] : memref<5000x16xi32, #tpu.memory_space<hbm>> -> memref<80x16xi32, #tpu.memory_space<hbm>>
      %dma_start3A_178 = arith.constant 0 : i32
      %dma_start3A_179 = arith.constant 0 : i32
      %dma_start3A_180 = tpu.memref_slice %arg12[%run_scoped3A_123, %dma_start3A_178, %dma_start3A_179] : memref<2x80x16xi32, #tpu.memory_space<vmem>> -> memref<1x80x16xi32, #tpu.memory_space<vmem>>
      %dma_start3A_181 = tpu.memref_squeeze %dma_start3A_180 : memref<1x80x16xi32, #tpu.memory_space<vmem>> -> memref<80x16xi32, #tpu.memory_space<vmem>>
      tpu.enqueue_dma source(%dma_start3A_181 : memref<80x16xi32, #tpu.memory_space<vmem>>) target(%dma_start3A_177 : memref<80x16xi32, #tpu.memory_space<hbm>>) target_semaphore(%run_scoped3A_169 : memref<!tpu.dma_semaphore, #tpu.memory_space<semaphore_mem>>)
      %dma_wait3A_182 = arith.constant 0 : i32
      %dma_wait3A_183 = arith.constant 0 : i32
      %dma_wait3A_184 = tpu.memref_slice %arg12[%run_scoped3A_123, %dma_wait3A_182, %dma_wait3A_183] : memref<2x80x16xi32, #tpu.memory_space<vmem>> -> memref<1x80x16xi32, #tpu.memory_space<vmem>>
      %dma_wait3A_185 = tpu.memref_squeeze %dma_wait3A_184 : memref<1x80x16xi32, #tpu.memory_space<vmem>> -> memref<80x16xi32, #tpu.memory_space<vmem>>
      %dma_wait3A_186 = arith.constant 0 : i32
      %dma_wait3A_187 = tpu.memref_slice %arg8[%add3A_122, %dma_wait3A_186] : memref<5000x16xi32, #tpu.memory_space<hbm>> -> memref<80x16xi32, #tpu.memory_space<hbm>>
      %dma_wait3A_188 = arith.constant 0 : i32
      %dma_wait3A_189 = tpu.memref_slice %arg8[%add3A_122, %dma_wait3A_188] : memref<5000x16xi32, #tpu.memory_space<hbm>> -> memref<80x16xi32, #tpu.memory_space<hbm>>
      %dma_wait3A_190 = arith.constant 0 : i32
      %dma_wait3A_191 = arith.constant 0 : i32
      %dma_wait3A_192 = tpu.memref_slice %arg12[%run_scoped3A_123, %dma_wait3A_190, %dma_wait3A_191] : memref<2x80x16xi32, #tpu.memory_space<vmem>> -> memref<1x80x16xi32, #tpu.memory_space<vmem>>
      %dma_wait3A_193 = tpu.memref_squeeze %dma_wait3A_192 : memref<1x80x16xi32, #tpu.memory_space<vmem>> -> memref<80x16xi32, #tpu.memory_space<vmem>>
      tpu.wait_dma2 semaphore(%run_scoped3A_169 : memref<!tpu.dma_semaphore, #tpu.memory_space<semaphore_mem>>) src(%dma_wait3A_193 : memref<80x16xi32, #tpu.memory_space<vmem>>) dst(%dma_wait3A_189 : memref<80x16xi32, #tpu.memory_space<hbm>>)
      tpu.yield
    }) : () -> ()
    %dma_wait3A_124 = arith.constant 1 : i32
    %dma_wait3A_125 = arith.constant 1 : i32
    %dma_wait3A_126 = arith.constant 0 : i32
    %dma_wait3A_127 = arith.constant 0 : i32
    %dma_wait3A_128 = tpu.memref_slice %arg10[%dma_wait3A_125, %dma_wait3A_126, %dma_wait3A_127] : memref<2x80x128xf32, #tpu.memory_space<vmem>> -> memref<1x80x128xf32, #tpu.memory_space<vmem>>
    %dma_wait3A_129 = tpu.memref_squeeze %dma_wait3A_128 : memref<1x80x128xf32, #tpu.memory_space<vmem>> -> memref<80x128xf32, #tpu.memory_space<vmem>>
    %dma_wait3A_130 = arith.constant 0 : i32
    %dma_wait3A_131 = tpu.memref_slice %arg9[%dma_wait3A_124, %dma_wait3A_130] : memref<2x80xi32, #tpu.memory_space<vmem>> -> memref<1x80xi32, #tpu.memory_space<vmem>>
    %dma_wait3A_132 = tpu.memref_squeeze %dma_wait3A_131 : memref<1x80xi32, #tpu.memory_space<vmem>> -> memref<80xi32, #tpu.memory_space<vmem>>
    %dma_wait3A_133 = arith.constant 0 : i32
    %dma_wait3A_134 = arith.constant 0 : i32
    %dma_wait3A_135 = tpu.memref_slice %arg2[%dma_wait3A_133, %dma_wait3A_134] : memref<10000x128xf32, #tpu.memory_space<hbm>> -> memref<10000x128xf32, #tpu.memory_space<hbm>>
    tpu.wait_indirect_dma semaphore(%arg16 : memref<!tpu.dma_semaphore, #tpu.memory_space<semaphore_mem>>) src(%dma_wait3A_135 : memref<10000x128xf32, #tpu.memory_space<hbm>>) dst(%dma_wait3A_129 : memref<80x128xf32, #tpu.memory_space<vmem>>)
    %add3A_136 = arith.constant 80 : i32
    %add3A_137 = arith.addi %min3A_3, %add3A_136 : i32
    %run_scoped3A_138 = arith.constant 1 : i32
    "tpu.region"() ({
      %run_scoped3A_169 = tpu.sem_alloc : memref<!tpu.dma_semaphore, #tpu.memory_space<semaphore_mem>>
      %dma_start3A_170 = arith.constant 0 : i32
      %dma_start3A_171 = arith.constant 0 : i32
      %dma_start3A_172 = tpu.memref_slice %arg10[%run_scoped3A_138, %dma_start3A_170, %dma_start3A_171] : memref<2x80x128xf32, #tpu.memory_space<vmem>> -> memref<1x80x128xf32, #tpu.memory_space<vmem>>
      %dma_start3A_173 = tpu.memref_squeeze %dma_start3A_172 : memref<1x80x128xf32, #tpu.memory_space<vmem>> -> memref<80x128xf32, #tpu.memory_space<vmem>>
      %dma_start3A_174 = arith.constant 0 : i32
      %dma_start3A_175 = tpu.memref_slice %arg6[%add3A_137, %dma_start3A_174] : memref<5000x128xf32, #tpu.memory_space<hbm>> -> memref<80x128xf32, #tpu.memory_space<hbm>>
      %dma_start3A_176 = arith.constant 0 : i32
      %dma_start3A_177 = tpu.memref_slice %arg6[%add3A_137, %dma_start3A_176] : memref<5000x128xf32, #tpu.memory_space<hbm>> -> memref<80x128xf32, #tpu.memory_space<hbm>>
      %dma_start3A_178 = arith.constant 0 : i32
      %dma_start3A_179 = arith.constant 0 : i32
      %dma_start3A_180 = tpu.memref_slice %arg10[%run_scoped3A_138, %dma_start3A_178, %dma_start3A_179] : memref<2x80x128xf32, #tpu.memory_space<vmem>> -> memref<1x80x128xf32, #tpu.memory_space<vmem>>
      %dma_start3A_181 = tpu.memref_squeeze %dma_start3A_180 : memref<1x80x128xf32, #tpu.memory_space<vmem>> -> memref<80x128xf32, #tpu.memory_space<vmem>>
      tpu.enqueue_dma source(%dma_start3A_181 : memref<80x128xf32, #tpu.memory_space<vmem>>) target(%dma_start3A_177 : memref<80x128xf32, #tpu.memory_space<hbm>>) target_semaphore(%run_scoped3A_169 : memref<!tpu.dma_semaphore, #tpu.memory_space<semaphore_mem>>)
      %dma_wait3A_182 = arith.constant 0 : i32
      %dma_wait3A_183 = arith.constant 0 : i32
      %dma_wait3A_184 = tpu.memref_slice %arg10[%run_scoped3A_138, %dma_wait3A_182, %dma_wait3A_183] : memref<2x80x128xf32, #tpu.memory_space<vmem>> -> memref<1x80x128xf32, #tpu.memory_space<vmem>>
      %dma_wait3A_185 = tpu.memref_squeeze %dma_wait3A_184 : memref<1x80x128xf32, #tpu.memory_space<vmem>> -> memref<80x128xf32, #tpu.memory_space<vmem>>
      %dma_wait3A_186 = arith.constant 0 : i32
      %dma_wait3A_187 = tpu.memref_slice %arg6[%add3A_137, %dma_wait3A_186] : memref<5000x128xf32, #tpu.memory_space<hbm>> -> memref<80x128xf32, #tpu.memory_space<hbm>>
      %dma_wait3A_188 = arith.constant 0 : i32
      %dma_wait3A_189 = tpu.memref_slice %arg6[%add3A_137, %dma_wait3A_188] : memref<5000x128xf32, #tpu.memory_space<hbm>> -> memref<80x128xf32, #tpu.memory_space<hbm>>
      %dma_wait3A_190 = arith.constant 0 : i32
      %dma_wait3A_191 = arith.constant 0 : i32
      %dma_wait3A_192 = tpu.memref_slice %arg10[%run_scoped3A_138, %dma_wait3A_190, %dma_wait3A_191] : memref<2x80x128xf32, #tpu.memory_space<vmem>> -> memref<1x80x128xf32, #tpu.memory_space<vmem>>
      %dma_wait3A_193 = tpu.memref_squeeze %dma_wait3A_192 : memref<1x80x128xf32, #tpu.memory_space<vmem>> -> memref<80x128xf32, #tpu.memory_space<vmem>>
      tpu.wait_dma2 semaphore(%run_scoped3A_169 : memref<!tpu.dma_semaphore, #tpu.memory_space<semaphore_mem>>) src(%dma_wait3A_193 : memref<80x128xf32, #tpu.memory_space<vmem>>) dst(%dma_wait3A_189 : memref<80x128xf32, #tpu.memory_space<hbm>>)
      tpu.yield
    }) : () -> ()
    %dma_wait3A_139 = arith.constant 1 : i32
    %dma_wait3A_140 = arith.constant 1 : i32
    %dma_wait3A_141 = arith.constant 0 : i32
    %dma_wait3A_142 = arith.constant 0 : i32
    %dma_wait3A_143 = tpu.memref_slice %arg11[%dma_wait3A_140, %dma_wait3A_141, %dma_wait3A_142] : memref<2x80x16xf32, #tpu.memory_space<vmem>> -> memref<1x80x16xf32, #tpu.memory_space<vmem>>
    %dma_wait3A_144 = tpu.memref_squeeze %dma_wait3A_143 : memref<1x80x16xf32, #tpu.memory_space<vmem>> -> memref<80x16xf32, #tpu.memory_space<vmem>>
    %dma_wait3A_145 = arith.constant 0 : i32
    %dma_wait3A_146 = tpu.memref_slice %arg9[%dma_wait3A_139, %dma_wait3A_145] : memref<2x80xi32, #tpu.memory_space<vmem>> -> memref<1x80xi32, #tpu.memory_space<vmem>>
    %dma_wait3A_147 = tpu.memref_squeeze %dma_wait3A_146 : memref<1x80xi32, #tpu.memory_space<vmem>> -> memref<80xi32, #tpu.memory_space<vmem>>
    %dma_wait3A_148 = arith.constant 0 : i32
    %dma_wait3A_149 = arith.constant 0 : i32
    %dma_wait3A_150 = tpu.memref_slice %arg3[%dma_wait3A_148, %dma_wait3A_149] : memref<10000x16xf32, #tpu.memory_space<hbm>> -> memref<10000x16xf32, #tpu.memory_space<hbm>>
    tpu.wait_indirect_dma semaphore(%arg17 : memref<!tpu.dma_semaphore, #tpu.memory_space<semaphore_mem>>) src(%dma_wait3A_150 : memref<10000x16xf32, #tpu.memory_space<hbm>>) dst(%dma_wait3A_144 : memref<80x16xf32, #tpu.memory_space<vmem>>)
    %add3A_151 = arith.constant 80 : i32
    %add3A_152 = arith.addi %min3A_3, %add3A_151 : i32
    %run_scoped3A_153 = arith.constant 1 : i32
    "tpu.region"() ({
      %run_scoped3A_169 = tpu.sem_alloc : memref<!tpu.dma_semaphore, #tpu.memory_space<semaphore_mem>>
      %dma_start3A_170 = arith.constant 0 : i32
      %dma_start3A_171 = arith.constant 0 : i32
      %dma_start3A_172 = tpu.memref_slice %arg11[%run_scoped3A_153, %dma_start3A_170, %dma_start3A_171] : memref<2x80x16xf32, #tpu.memory_space<vmem>> -> memref<1x80x16xf32, #tpu.memory_space<vmem>>
      %dma_start3A_173 = tpu.memref_squeeze %dma_start3A_172 : memref<1x80x16xf32, #tpu.memory_space<vmem>> -> memref<80x16xf32, #tpu.memory_space<vmem>>
      %dma_start3A_174 = arith.constant 0 : i32
      %dma_start3A_175 = tpu.memref_slice %arg7[%add3A_152, %dma_start3A_174] : memref<5000x16xf32, #tpu.memory_space<hbm>> -> memref<80x16xf32, #tpu.memory_space<hbm>>
      %dma_start3A_176 = arith.constant 0 : i32
      %dma_start3A_177 = tpu.memref_slice %arg7[%add3A_152, %dma_start3A_176] : memref<5000x16xf32, #tpu.memory_space<hbm>> -> memref<80x16xf32, #tpu.memory_space<hbm>>
      %dma_start3A_178 = arith.constant 0 : i32
      %dma_start3A_179 = arith.constant 0 : i32
      %dma_start3A_180 = tpu.memref_slice %arg11[%run_scoped3A_153, %dma_start3A_178, %dma_start3A_179] : memref<2x80x16xf32, #tpu.memory_space<vmem>> -> memref<1x80x16xf32, #tpu.memory_space<vmem>>
      %dma_start3A_181 = tpu.memref_squeeze %dma_start3A_180 : memref<1x80x16xf32, #tpu.memory_space<vmem>> -> memref<80x16xf32, #tpu.memory_space<vmem>>
      tpu.enqueue_dma source(%dma_start3A_181 : memref<80x16xf32, #tpu.memory_space<vmem>>) target(%dma_start3A_177 : memref<80x16xf32, #tpu.memory_space<hbm>>) target_semaphore(%run_scoped3A_169 : memref<!tpu.dma_semaphore, #tpu.memory_space<semaphore_mem>>)
      %dma_wait3A_182 = arith.constant 0 : i32
      %dma_wait3A_183 = arith.constant 0 : i32
      %dma_wait3A_184 = tpu.memref_slice %arg11[%run_scoped3A_153, %dma_wait3A_182, %dma_wait3A_183] : memref<2x80x16xf32, #tpu.memory_space<vmem>> -> memref<1x80x16xf32, #tpu.memory_space<vmem>>
      %dma_wait3A_185 = tpu.memref_squeeze %dma_wait3A_184 : memref<1x80x16xf32, #tpu.memory_space<vmem>> -> memref<80x16xf32, #tpu.memory_space<vmem>>
      %dma_wait3A_186 = arith.constant 0 : i32
      %dma_wait3A_187 = tpu.memref_slice %arg7[%add3A_152, %dma_wait3A_186] : memref<5000x16xf32, #tpu.memory_space<hbm>> -> memref<80x16xf32, #tpu.memory_space<hbm>>
      %dma_wait3A_188 = arith.constant 0 : i32
      %dma_wait3A_189 = tpu.memref_slice %arg7[%add3A_152, %dma_wait3A_188] : memref<5000x16xf32, #tpu.memory_space<hbm>> -> memref<80x16xf32, #tpu.memory_space<hbm>>
      %dma_wait3A_190 = arith.constant 0 : i32
      %dma_wait3A_191 = arith.constant 0 : i32
      %dma_wait3A_192 = tpu.memref_slice %arg11[%run_scoped3A_153, %dma_wait3A_190, %dma_wait3A_191] : memref<2x80x16xf32, #tpu.memory_space<vmem>> -> memref<1x80x16xf32, #tpu.memory_space<vmem>>
      %dma_wait3A_193 = tpu.memref_squeeze %dma_wait3A_192 : memref<1x80x16xf32, #tpu.memory_space<vmem>> -> memref<80x16xf32, #tpu.memory_space<vmem>>
      tpu.wait_dma2 semaphore(%run_scoped3A_169 : memref<!tpu.dma_semaphore, #tpu.memory_space<semaphore_mem>>) src(%dma_wait3A_193 : memref<80x16xf32, #tpu.memory_space<vmem>>) dst(%dma_wait3A_189 : memref<80x16xf32, #tpu.memory_space<hbm>>)
      tpu.yield
    }) : () -> ()
    %dma_wait3A_154 = arith.constant 1 : i32
    %dma_wait3A_155 = arith.constant 1 : i32
    %dma_wait3A_156 = arith.constant 0 : i32
    %dma_wait3A_157 = arith.constant 0 : i32
    %dma_wait3A_158 = tpu.memref_slice %arg12[%dma_wait3A_155, %dma_wait3A_156, %dma_wait3A_157] : memref<2x80x16xi32, #tpu.memory_space<vmem>> -> memref<1x80x16xi32, #tpu.memory_space<vmem>>
    %dma_wait3A_159 = tpu.memref_squeeze %dma_wait3A_158 : memref<1x80x16xi32, #tpu.memory_space<vmem>> -> memref<80x16xi32, #tpu.memory_space<vmem>>
    %dma_wait3A_160 = arith.constant 0 : i32
    %dma_wait3A_161 = tpu.memref_slice %arg9[%dma_wait3A_154, %dma_wait3A_160] : memref<2x80xi32, #tpu.memory_space<vmem>> -> memref<1x80xi32, #tpu.memory_space<vmem>>
    %dma_wait3A_162 = tpu.memref_squeeze %dma_wait3A_161 : memref<1x80xi32, #tpu.memory_space<vmem>> -> memref<80xi32, #tpu.memory_space<vmem>>
    %dma_wait3A_163 = arith.constant 0 : i32
    %dma_wait3A_164 = arith.constant 0 : i32
    %dma_wait3A_165 = tpu.memref_slice %arg4[%dma_wait3A_163, %dma_wait3A_164] : memref<10000x16xi32, #tpu.memory_space<hbm>> -> memref<10000x16xi32, #tpu.memory_space<hbm>>
    tpu.wait_indirect_dma semaphore(%arg18 : memref<!tpu.dma_semaphore, #tpu.memory_space<semaphore_mem>>) src(%dma_wait3A_165 : memref<10000x16xi32, #tpu.memory_space<hbm>>) dst(%dma_wait3A_159 : memref<80x16xi32, #tpu.memory_space<vmem>>)
    %add3A_166 = arith.constant 80 : i32
    %add3A_167 = arith.addi %min3A_3, %add3A_166 : i32
    %run_scoped3A_168 = arith.constant 1 : i32
    "tpu.region"() ({
      %run_scoped3A_169 = tpu.sem_alloc : memref<!tpu.dma_semaphore, #tpu.memory_space<semaphore_mem>>
      %dma_start3A_170 = arith.constant 0 : i32
      %dma_start3A_171 = arith.constant 0 : i32
      %dma_start3A_172 = tpu.memref_slice %arg12[%run_scoped3A_168, %dma_start3A_170, %dma_start3A_171] : memref<2x80x16xi32, #tpu.memory_space<vmem>> -> memref<1x80x16xi32, #tpu.memory_space<vmem>>
      %dma_start3A_173 = tpu.memref_squeeze %dma_start3A_172 : memref<1x80x16xi32, #tpu.memory_space<vmem>> -> memref<80x16xi32, #tpu.memory_space<vmem>>
      %dma_start3A_174 = arith.constant 0 : i32
      %dma_start3A_175 = tpu.memref_slice %arg8[%add3A_167, %dma_start3A_174] : memref<5000x16xi32, #tpu.memory_space<hbm>> -> memref<80x16xi32, #tpu.memory_space<hbm>>
      %dma_start3A_176 = arith.constant 0 : i32
      %dma_start3A_177 = tpu.memref_slice %arg8[%add3A_167, %dma_start3A_176] : memref<5000x16xi32, #tpu.memory_space<hbm>> -> memref<80x16xi32, #tpu.memory_space<hbm>>
      %dma_start3A_178 = arith.constant 0 : i32
      %dma_start3A_179 = arith.constant 0 : i32
      %dma_start3A_180 = tpu.memref_slice %arg12[%run_scoped3A_168, %dma_start3A_178, %dma_start3A_179] : memref<2x80x16xi32, #tpu.memory_space<vmem>> -> memref<1x80x16xi32, #tpu.memory_space<vmem>>
      %dma_start3A_181 = tpu.memref_squeeze %dma_start3A_180 : memref<1x80x16xi32, #tpu.memory_space<vmem>> -> memref<80x16xi32, #tpu.memory_space<vmem>>
      tpu.enqueue_dma source(%dma_start3A_181 : memref<80x16xi32, #tpu.memory_space<vmem>>) target(%dma_start3A_177 : memref<80x16xi32, #tpu.memory_space<hbm>>) target_semaphore(%run_scoped3A_169 : memref<!tpu.dma_semaphore, #tpu.memory_space<semaphore_mem>>)
      %dma_wait3A_182 = arith.constant 0 : i32
      %dma_wait3A_183 = arith.constant 0 : i32
      %dma_wait3A_184 = tpu.memref_slice %arg12[%run_scoped3A_168, %dma_wait3A_182, %dma_wait3A_183] : memref<2x80x16xi32, #tpu.memory_space<vmem>> -> memref<1x80x16xi32, #tpu.memory_space<vmem>>
      %dma_wait3A_185 = tpu.memref_squeeze %dma_wait3A_184 : memref<1x80x16xi32, #tpu.memory_space<vmem>> -> memref<80x16xi32, #tpu.memory_space<vmem>>
      %dma_wait3A_186 = arith.constant 0 : i32
      %dma_wait3A_187 = tpu.memref_slice %arg8[%add3A_167, %dma_wait3A_186] : memref<5000x16xi32, #tpu.memory_space<hbm>> -> memref<80x16xi32, #tpu.memory_space<hbm>>
      %dma_wait3A_188 = arith.constant 0 : i32
      %dma_wait3A_189 = tpu.memref_slice %arg8[%add3A_167, %dma_wait3A_188] : memref<5000x16xi32, #tpu.memory_space<hbm>> -> memref<80x16xi32, #tpu.memory_space<hbm>>
      %dma_wait3A_190 = arith.constant 0 : i32
      %dma_wait3A_191 = arith.constant 0 : i32
      %dma_wait3A_192 = tpu.memref_slice %arg12[%run_scoped3A_168, %dma_wait3A_190, %dma_wait3A_191] : memref<2x80x16xi32, #tpu.memory_space<vmem>> -> memref<1x80x16xi32, #tpu.memory_space<vmem>>
      %dma_wait3A_193 = tpu.memref_squeeze %dma_wait3A_192 : memref<1x80x16xi32, #tpu.memory_space<vmem>> -> memref<80x16xi32, #tpu.memory_space<vmem>>
      tpu.wait_dma2 semaphore(%run_scoped3A_169 : memref<!tpu.dma_semaphore, #tpu.memory_space<semaphore_mem>>) src(%dma_wait3A_193 : memref<80x16xi32, #tpu.memory_space<vmem>>) dst(%dma_wait3A_189 : memref<80x16xi32, #tpu.memory_space<hbm>>)
      tpu.yield
    }) : () -> ()
    return
  }
}

module attributes {stable_mosaic.version = 14 : i64} {
  func.func @_fps_kernel(%arg0: memref<80x128xf32, #tpu.memory_space<vmem>>, %arg1: memref<80x128xf32, #tpu.memory_space<vmem>>, %arg2: memref<80x128xf32, #tpu.memory_space<vmem>>, %arg3: memref<80x128xf32, #tpu.memory_space<vmem>>, %arg4: memref<10240x128xf32, #tpu.memory_space<vmem>>, %arg5: memref<10240x128xf32, #tpu.memory_space<vmem>>, %arg6: memref<10240x128xf32, #tpu.memory_space<vmem>>, %arg7: memref<5000x1xi32, #tpu.memory_space<vmem>>) attributes {dimension_semantics = [], scalar_prefetch = 0 : i64, scratch_operands = 0 : i64, tpu.core_type = #tpu.core_type<tc>} {
    %get3A = arith.constant 0 : index
    %get3A_0 = arith.constant 0 : index
    %get3A_1 = vector.load %arg0[%get3A, %get3A_0] : memref<80x128xf32, #tpu.memory_space<vmem>>, vector<80x128xf32>
    %get3A_2 = arith.constant 0 : index
    %get3A_3 = arith.constant 0 : index
    %get3A_4 = vector.load %arg1[%get3A_2, %get3A_3] : memref<80x128xf32, #tpu.memory_space<vmem>>, vector<80x128xf32>
    %get3A_5 = arith.constant 0 : index
    %get3A_6 = arith.constant 0 : index
    %get3A_7 = vector.load %arg2[%get3A_5, %get3A_6] : memref<80x128xf32, #tpu.memory_space<vmem>>, vector<80x128xf32>
    %iota3A = tpu.iota {dimensions = array<i32: 0>} : vector<80x128xi32>
    %mul3A = arith.constant 128 : i32
    %mul3A_8 = vector.broadcast %mul3A : i32 to vector<80x128xi32>
    %mul3A_9 = arith.muli %iota3A, %mul3A_8 : vector<80x128xi32>
    %iota3A_10 = tpu.iota {dimensions = array<i32: 1>} : vector<80x128xi32>
    %add3A = arith.addi %mul3A_9, %iota3A_10 : vector<80x128xi32>
    %convert_element_type3A = arith.sitofp %add3A : vector<80x128xi32> to vector<80x128xf32>
    %add3A_11 = arith.constant 0x4B000000 : f32
    %add3A_12 = vector.broadcast %add3A_11 : f32 to vector<80x128xf32>
    %add3A_13 = arith.addf %convert_element_type3A, %add3A_12 : vector<80x128xf32>
    %broadcast_in_dim3A = arith.constant 0 : i32
    %broadcast_in_dim3A_14 = vector.broadcast %broadcast_in_dim3A : i32 to vector<1x1xi32>
    %swap3A = arith.constant 0 : index
    %swap3A_15 = arith.constant 0 : index
    %swap3A_16 = vector.load %arg7[%swap3A, %swap3A_15] : memref<5000x1xi32, #tpu.memory_space<vmem>>, vector<1x1xi32>
    tpu.vector_store %arg7[%swap3A, %swap3A_15], %broadcast_in_dim3A_14 {strides = array<i32>} : memref<5000x1xi32, #tpu.memory_space<vmem>>, vector<1x1xi32>,
    %get3A_17 = arith.constant 0 : index
    %get3A_18 = arith.constant 0 : index
    %get3A_19 = vector.load %arg4[%get3A_17, %get3A_18] : memref<10240x128xf32, #tpu.memory_space<vmem>>, vector<1x128xf32>
    %get3A_20 = arith.constant 0 : index
    %get3A_21 = arith.constant 0 : index
    %get3A_22 = vector.load %arg5[%get3A_20, %get3A_21] : memref<10240x128xf32, #tpu.memory_space<vmem>>, vector<1x128xf32>
    %get3A_23 = arith.constant 0 : index
    %get3A_24 = arith.constant 0 : index
    %get3A_25 = vector.load %arg6[%get3A_23, %get3A_24] : memref<10240x128xf32, #tpu.memory_space<vmem>>, vector<1x128xf32>
    %get3A_26 = arith.constant 0 : index
    %get3A_27 = arith.constant 0 : index
    %get3A_28 = vector.load %arg3[%get3A_26, %get3A_27] : memref<80x128xf32, #tpu.memory_space<vmem>>, vector<80x128xf32>
    %scan3A = arith.constant 1 : i32
    %scan3A_29 = arith.constant 4999 : i32
    %scan3A_30 = arith.addi %scan3A, %scan3A_29 : i32
    %scan3A_31 = arith.constant 1 : i32
    %scan3A_32:4 = scf.for %scan3A_34 = %scan3A to %scan3A_30 step %scan3A_31 iter_args(%scan3A_35 = %get3A_28, %scan3A_36 = %get3A_19, %scan3A_37 = %get3A_22, %scan3A_38 = %get3A_25) -> (vector<80x128xf32>, vector<1x128xf32>, vector<1x128xf32>, vector<1x128xf32>)  : i32 {
      %sub3A = vector.broadcast %scan3A_36 : vector<1x128xf32> to vector<80x128xf32>
      %sub3A_39 = arith.subf %get3A_1, %sub3A : vector<80x128xf32>
      %sub3A_40 = vector.broadcast %scan3A_37 : vector<1x128xf32> to vector<80x128xf32>
      %sub3A_41 = arith.subf %get3A_4, %sub3A_40 : vector<80x128xf32>
      %sub3A_42 = vector.broadcast %scan3A_38 : vector<1x128xf32> to vector<80x128xf32>
      %sub3A_43 = arith.subf %get3A_7, %sub3A_42 : vector<80x128xf32>
      %mul3A_44 = arith.mulf %sub3A_39, %sub3A_39 : vector<80x128xf32>
      %mul3A_45 = arith.mulf %sub3A_41, %sub3A_41 : vector<80x128xf32>
      %add3A_46 = arith.addf %mul3A_44, %mul3A_45 : vector<80x128xf32>
      %mul3A_47 = arith.mulf %sub3A_43, %sub3A_43 : vector<80x128xf32>
      %add3A_48 = arith.addf %add3A_46, %mul3A_47 : vector<80x128xf32>
      %min3A = arith.minimumf %scan3A_35, %add3A_48 : vector<80x128xf32>
      %slice3A = vector.extract_strided_slice %min3A {offsets = [0, 0], sizes = [8, 128], strides = [1, 1]} : vector<80x128xf32> to vector<8x128xf32>
      %slice3A_49 = vector.extract_strided_slice %add3A_13 {offsets = [0, 0], sizes = [8, 128], strides = [1, 1]} : vector<80x128xf32> to vector<8x128xf32>
      %slice3A_50 = vector.extract_strided_slice %min3A {offsets = [8, 0], sizes = [8, 128], strides = [1, 1]} : vector<80x128xf32> to vector<8x128xf32>
      %slice3A_51 = vector.extract_strided_slice %add3A_13 {offsets = [8, 0], sizes = [8, 128], strides = [1, 1]} : vector<80x128xf32> to vector<8x128xf32>
      %slice3A_52 = vector.extract_strided_slice %min3A {offsets = [16, 0], sizes = [8, 128], strides = [1, 1]} : vector<80x128xf32> to vector<8x128xf32>
      %slice3A_53 = vector.extract_strided_slice %add3A_13 {offsets = [16, 0], sizes = [8, 128], strides = [1, 1]} : vector<80x128xf32> to vector<8x128xf32>
      %slice3A_54 = vector.extract_strided_slice %min3A {offsets = [24, 0], sizes = [8, 128], strides = [1, 1]} : vector<80x128xf32> to vector<8x128xf32>
      %slice3A_55 = vector.extract_strided_slice %add3A_13 {offsets = [24, 0], sizes = [8, 128], strides = [1, 1]} : vector<80x128xf32> to vector<8x128xf32>
      %slice3A_56 = vector.extract_strided_slice %min3A {offsets = [32, 0], sizes = [8, 128], strides = [1, 1]} : vector<80x128xf32> to vector<8x128xf32>
      %slice3A_57 = vector.extract_strided_slice %add3A_13 {offsets = [32, 0], sizes = [8, 128], strides = [1, 1]} : vector<80x128xf32> to vector<8x128xf32>
      %slice3A_58 = vector.extract_strided_slice %min3A {offsets = [40, 0], sizes = [8, 128], strides = [1, 1]} : vector<80x128xf32> to vector<8x128xf32>
      %slice3A_59 = vector.extract_strided_slice %add3A_13 {offsets = [40, 0], sizes = [8, 128], strides = [1, 1]} : vector<80x128xf32> to vector<8x128xf32>
      %slice3A_60 = vector.extract_strided_slice %min3A {offsets = [48, 0], sizes = [8, 128], strides = [1, 1]} : vector<80x128xf32> to vector<8x128xf32>
      %slice3A_61 = vector.extract_strided_slice %add3A_13 {offsets = [48, 0], sizes = [8, 128], strides = [1, 1]} : vector<80x128xf32> to vector<8x128xf32>
      %slice3A_62 = vector.extract_strided_slice %min3A {offsets = [56, 0], sizes = [8, 128], strides = [1, 1]} : vector<80x128xf32> to vector<8x128xf32>
      %slice3A_63 = vector.extract_strided_slice %add3A_13 {offsets = [56, 0], sizes = [8, 128], strides = [1, 1]} : vector<80x128xf32> to vector<8x128xf32>
      %slice3A_64 = vector.extract_strided_slice %min3A {offsets = [64, 0], sizes = [8, 128], strides = [1, 1]} : vector<80x128xf32> to vector<8x128xf32>
      %slice3A_65 = vector.extract_strided_slice %add3A_13 {offsets = [64, 0], sizes = [8, 128], strides = [1, 1]} : vector<80x128xf32> to vector<8x128xf32>
      %slice3A_66 = vector.extract_strided_slice %min3A {offsets = [72, 0], sizes = [8, 128], strides = [1, 1]} : vector<80x128xf32> to vector<8x128xf32>
      %slice3A_67 = vector.extract_strided_slice %add3A_13 {offsets = [72, 0], sizes = [8, 128], strides = [1, 1]} : vector<80x128xf32> to vector<8x128xf32>
      %max3A = arith.maximumf %slice3A, %slice3A_50 : vector<8x128xf32>
      %gt3A = arith.cmpf ogt, %slice3A_50, %slice3A : vector<8x128xf32>
      %select_n3A = arith.select %gt3A, %slice3A_51, %slice3A_49 : vector<8x128xi1>, vector<8x128xf32>
      %max3A_68 = arith.maximumf %slice3A_52, %slice3A_54 : vector<8x128xf32>
      %gt3A_69 = arith.cmpf ogt, %slice3A_54, %slice3A_52 : vector<8x128xf32>
      %select_n3A_70 = arith.select %gt3A_69, %slice3A_55, %slice3A_53 : vector<8x128xi1>, vector<8x128xf32>
      %max3A_71 = arith.maximumf %slice3A_56, %slice3A_58 : vector<8x128xf32>
      %gt3A_72 = arith.cmpf ogt, %slice3A_58, %slice3A_56 : vector<8x128xf32>
      %select_n3A_73 = arith.select %gt3A_72, %slice3A_59, %slice3A_57 : vector<8x128xi1>, vector<8x128xf32>
      %max3A_74 = arith.maximumf %slice3A_60, %slice3A_62 : vector<8x128xf32>
      %gt3A_75 = arith.cmpf ogt, %slice3A_62, %slice3A_60 : vector<8x128xf32>
      %select_n3A_76 = arith.select %gt3A_75, %slice3A_63, %slice3A_61 : vector<8x128xi1>, vector<8x128xf32>
      %max3A_77 = arith.maximumf %slice3A_64, %slice3A_66 : vector<8x128xf32>
      %gt3A_78 = arith.cmpf ogt, %slice3A_66, %slice3A_64 : vector<8x128xf32>
      %select_n3A_79 = arith.select %gt3A_78, %slice3A_67, %slice3A_65 : vector<8x128xi1>, vector<8x128xf32>
      %max3A_80 = arith.maximumf %max3A, %max3A_68 : vector<8x128xf32>
      %gt3A_81 = arith.cmpf ogt, %max3A_68, %max3A : vector<8x128xf32>
      %select_n3A_82 = arith.select %gt3A_81, %select_n3A_70, %select_n3A : vector<8x128xi1>, vector<8x128xf32>
      %max3A_83 = arith.maximumf %max3A_71, %max3A_74 : vector<8x128xf32>
      %gt3A_84 = arith.cmpf ogt, %max3A_74, %max3A_71 : vector<8x128xf32>
      %select_n3A_85 = arith.select %gt3A_84, %select_n3A_76, %select_n3A_73 : vector<8x128xi1>, vector<8x128xf32>
      %max3A_86 = arith.maximumf %max3A_80, %max3A_83 : vector<8x128xf32>
      %gt3A_87 = arith.cmpf ogt, %max3A_83, %max3A_80 : vector<8x128xf32>
      %select_n3A_88 = arith.select %gt3A_87, %select_n3A_85, %select_n3A_82 : vector<8x128xi1>, vector<8x128xf32>
      %max3A_89 = arith.maximumf %max3A_86, %max3A_77 : vector<8x128xf32>
      %gt3A_90 = arith.cmpf ogt, %max3A_77, %max3A_86 : vector<8x128xf32>
      %select_n3A_91 = arith.select %gt3A_90, %select_n3A_79, %select_n3A_88 : vector<8x128xi1>, vector<8x128xf32>
      %roll3A = arith.constant 4 : i32
      %roll3A_92 = tpu.dynamic_rotate %max3A_89 by %roll3A dim 0 : vector<8x128xf32>, i32 -> vector<8x128xf32>
      %max3A_93 = arith.maximumf %max3A_89, %roll3A_92 : vector<8x128xf32>
      %roll3A_94 = arith.constant 2 : i32
      %roll3A_95 = tpu.dynamic_rotate %max3A_93 by %roll3A_94 dim 0 : vector<8x128xf32>, i32 -> vector<8x128xf32>
      %max3A_96 = arith.maximumf %max3A_93, %roll3A_95 : vector<8x128xf32>
      %roll3A_97 = arith.constant 1 : i32
      %roll3A_98 = tpu.dynamic_rotate %max3A_96 by %roll3A_97 dim 0 : vector<8x128xf32>, i32 -> vector<8x128xf32>
      %max3A_99 = arith.maximumf %max3A_96, %roll3A_98 : vector<8x128xf32>
      %reduce_max3A = arith.constant dense<0xFF800000> : vector<8xf32>
      %reduce_max3A_100 = vector.multi_reduction <maximumf>, %max3A_99, %reduce_max3A [1] : vector<8x128xf32> to vector<8xf32>
      %broadcast_in_dim3A_101 = vector.shape_cast %reduce_max3A_100 : vector<8xf32> to vector<8x1xf32>
      %eq3A = vector.broadcast %broadcast_in_dim3A_101 : vector<8x1xf32> to vector<8x128xf32>
      %eq3A_102 = arith.cmpf oeq, %max3A_89, %eq3A : vector<8x128xf32>
      %jit3A = arith.constant 3.000000e+38 : f32
      %broadcast_in_dim3A_103 = vector.broadcast %jit3A : f32 to vector<8x128xf32>
      %select_n3A_104 = arith.select %eq3A_102, %select_n3A_91, %broadcast_in_dim3A_103 : vector<8x128xi1>, vector<8x128xf32>
      %reduce_min3A = vector.shape_cast %select_n3A_104 : vector<8x128xf32> to vector<1x8x128xf32>
      %reduce_min3A_105 = arith.constant dense<0x7F800000> : vector<1xf32>
      %reduce_min3A_106 = vector.multi_reduction <minimumf>, %reduce_min3A, %reduce_min3A_105 [1, 2] : vector<1x8x128xf32> to vector<1xf32>
      %reduce_min3A_107 = vector.shape_cast %reduce_min3A_106 : vector<1xf32> to vector<1x1x1xf32>
      %reduce_min3A_108 = vector.extract %reduce_min3A_107[0, 0, 0] : f32 from vector<1x1x1xf32>
      %bitcast_convert_type3A = arith.bitcast %reduce_min3A_108 : f32 to i32
      %and3A = arith.constant 8388607 : i32
      %and3A_109 = arith.andi %bitcast_convert_type3A, %and3A : i32
      %broadcast_in_dim3A_110 = vector.broadcast %and3A_109 : i32 to vector<1x1xi32>
      %swap3A_111 = arith.index_cast %scan3A_34 : i32 to index
      %swap3A_112 = arith.constant 0 : index
      %swap3A_113 = vector.load %arg7[%swap3A_111, %swap3A_112] : memref<5000x1xi32, #tpu.memory_space<vmem>>, vector<1x1xi32>
      tpu.vector_store %arg7[%swap3A_111, %swap3A_112], %broadcast_in_dim3A_110 {strides = array<i32>} : memref<5000x1xi32, #tpu.memory_space<vmem>>, vector<1x1xi32>,
      %get3A_114 = arith.index_cast %and3A_109 : i32 to index
      %get3A_115 = arith.constant 0 : index
      %get3A_116 = vector.load %arg4[%get3A_114, %get3A_115] : memref<10240x128xf32, #tpu.memory_space<vmem>>, vector<1x128xf32>
      %get3A_117 = arith.index_cast %and3A_109 : i32 to index
      %get3A_118 = arith.constant 0 : index
      %get3A_119 = vector.load %arg5[%get3A_117, %get3A_118] : memref<10240x128xf32, #tpu.memory_space<vmem>>, vector<1x128xf32>
      %get3A_120 = arith.index_cast %and3A_109 : i32 to index
      %get3A_121 = arith.constant 0 : index
      %get3A_122 = vector.load %arg6[%get3A_120, %get3A_121] : memref<10240x128xf32, #tpu.memory_space<vmem>>, vector<1x128xf32>
      scf.yield %min3A, %get3A_116, %get3A_119, %get3A_122 : vector<80x128xf32>, vector<1x128xf32>, vector<1x128xf32>, vector<1x128xf32>
    }
    %scan3A_33 = arith.constant 4999 : i32
    return
  }
}

</mosaic_0001>

<sc_bundles>
// kernel: kernel.4.cloned.1.call-start
scs
__scs_entry_jumppad:
0x0: {  	(pc) =	sbr.rel $0x88, $3  }
0x1: {  	(tag) =	ssettag $0x0;
	lr =	simm.s32 $0x1  }
0x2: {  	[smem:$0x3F9E] =	sst lr;
	_ =	strace $0xD0000000  }
0x3: {  	_ = 	snop  }
0x4: {  	_ = 	snop  }
0x5: {  	_ = 	snop  }
0x6: {  	_ = 	snop  }
0x7: {  	_ = 	snop  }
__scs_overlays_trampoline_lowered:
0x8: {  	[smem:$0x3FAD] =	sst s0  }
0x9: {  	[smem:$0x3FAE] =	sst s1  }
0xa: {  	[smem:$0x3FAF] =	sst s2  }
0xb: {  	[smem:$0x3FB0] =	sst s3  }
0xc: {  	[smem:$0x3FB1] =	sst s4  }
0xd: {  	[smem:$0x3FB2] =	sst s5  }
0xe: {  	[smem:$0x3FB3] =	sst s6  }
0xf: {  	[smem:$0x3FB4] =	sst s7  }
0x10: {  	[smem:$0x3FB5] =	sst s8  }
0x11: {  	[smem:$0x3FB6] =	sst s9;
	s0 =	simm.s32 @!p0 $0x0  }
0x12: {  	s1 =	sld [smem:$0x3F9C];
	s0 =	simm.s32 @p0 $0x1  }
0x13: {  	[smem:$0x3FB7] =	sst s0;
	s0 =	simm.s32 @!p1 $0x0  }
0x14: {  	s2 =	sld [smem:$0x3F9B];
	s0 =	simm.s32 @p1 $0x1  }
0x15: {  	[smem:$0x3FB8] =	sst s0;
	s0 =	simm.s32 @!p2 $0x0  }
0x16: {  	s3 =	sld [smem:$0x3FDB];
	s0 =	simm.s32 @p2 $0x1  }
0x17: {  	s4 =	simm.s32 $0x1BF5;
	[smem:$0x3FBA] =	sst s0  }
0x18: {  	s0 =	sld [smem:$0x3F9D];
	_ =	swait.ge [sflag:s4], $0x0  }
0x19: {  	s7 =	sld [smem:$0x3F9E]  }
0x1a: {  	s8 =	sadd.s32 $0xFFFFE003, lr  }
0x1b: {  	s9 =	sadd.s32 $0xFFFFFEF7, lr;
	s5 =	simm.s32 $0xFFFFFFFF;
	p2 =	slt.u32 s8, $0xFFFFF086  }
0x1c: {  	p1 =	slt.u32 s9, $0xF7A;
	s5 =	simm.s32 @!p2 $0x0  }
0x1d: {  	s5 =	simm.s32 @p1 $0x1;
	p0 =	seq.s32 s7, s2  }
0x1e: {  	s7 =	smul.u32 @!p0 $0xF7A, s2;
	p2 =	seq.s32 @!p0 s5, $0x0  }
0x1f: {  	s9 =	smul.u32 $0xF7A, s1;
	s8 =	simm.s32 @!p0 $0x1BF5;
	p2 =	por !p2, p0  }
0x20: {  	[sflag:s8] =	ssyncset.s32 @!p0 $0xFFFFF086;
	s6 =	sadd.s32 @!p0 s3, s7;
	s7 =	simm.s32 @!p0 $0x108  }
0x21: {  	s3 =	sadd.s32 s3, s9;
	s6 =	sadd.s32 @!p0 $0x88, s6;
	s7 =	simm.s32 @p2 $0x1082  }
0x22: {  	[simem:s7], [sflag:s8] =	dma.local @!p0 [hbm:s6], $0xF7A  }
0x23: {  	s9 =	sor.u32 $0xD0000000, s2;
	s6 =	simm.s32 $0x108;
	_ =	swait.ge @!p0 [sflag:s8], $0x0  }
0x24: {  	s3 =	sadd.s32 $0x88, s3;
	s6 =	simm.s32 @!p1 $0x1082;
	[sflag:s4] =	ssyncset.s32 $0xFFFFF086  }
0x25: {  	[simem:s6], [sflag:s4] =	dma.local [hbm:s3], $0xF7A  }
0x26: {  	[smem:$0x3F9E] =	sst s1;
	(tag) =	ssettag s2;
	_ =	strace s9  }
0x27: {  	s1 =	sld [smem:$0x3FAE]  }
0x28: {  	s2 =	sld [smem:$0x3FAF]  }
0x29: {  	s4 =	sld [smem:$0x3FB1]  }
0x2a: {  	p0 =	seq.s32 s5, $0x0;
	s5 =	sld [smem:$0x3FB2]  }
0x2b: {  	s6 =	sld [smem:$0x3FB3]  }
0x2c: {  	s7 =	sld [smem:$0x3FB4]  }
0x2d: {  	s3 =	simm.s32 $0x108;
	s8 =	sld [smem:$0x3FB5]  }
0x2e: {  	s3 =	simm.s32 @!p0 $0x1082;
	s9 =	sld [smem:$0x3FB6]  }
0x2f: {  	lr =	sadd.s32 s0, s3;
	s0 =	sld [smem:$0x3FAD]  }
0x30: {  	s3 =	sld [smem:$0x3FB0]  }
0x31: {  	[smem:$0x3FB9] =	sst s10  }
0x32: {  	s10 =	sld [smem:$0x3FB7];
	_ =	sdelay $0x3  }
0x33: {  	p0 =	seq.s32 s10, $0x1;
	s10 =	sld [smem:$0x3FB9];
	_ =	sdelay $0x3  }
0x34: {  	[smem:$0x3FB9] =	sst s10  }
0x35: {  	s10 =	sld [smem:$0x3FB8];
	_ =	sdelay $0x3  }
0x36: {  	p1 =	seq.s32 s10, $0x1;
	s10 =	sld [smem:$0x3FB9];
	_ =	sdelay $0x3  }
0x37: {  	[smem:$0x3FB9] =	sst s10  }
0x38: {  	s10 =	sld [smem:$0x3FBA]  }
0x39: {  	_ = 	snop;
	(pc) =	sbr.ind lr, $3  }
0x3a: {  	_ = 	snop  }
0x3b: {  	_ = 	snop  }
0x3c: {  	p2 =	seq.s32 s10, $0x1;
	s10 =	sld [smem:$0x3FB9]  }
0x3d: {  	_ =	shalt  }
0x3e: {  	_ =	shalt  }
0x3f: {  	_ =	shalt  }
0x40: {  	_ =	shalt  }
0x41: {  	_ =	shalt  }
0x42: {  	_ =	shalt  }
0x43: {  	_ =	shalt  }
0x44: {  	_ =	shalt  }
0x45: {  	_ =	shalt  }
0x46: {  	_ =	shalt  }
0x47: {  	_ =	shalt  }
0x48: {  	_ =	shalt  }
0x49: {  	_ =	shalt  }
0x4a: {  	_ =	shalt  }
0x4b: {  	_ =	shalt  }
0x4c: {  	_ =	shalt  }
0x4d: {  	_ =	shalt  }
0x4e: {  	_ =	shalt  }
0x4f: {  	_ =	shalt  }
0x50: {  	_ =	shalt  }
0x51: {  	_ =	shalt  }
0x52: {  	_ =	shalt  }
0x53: {  	_ =	shalt  }
0x54: {  	_ =	shalt  }
0x55: {  	_ =	shalt  }
0x56: {  	_ =	shalt  }
0x57: {  	_ =	shalt  }
0x58: {  	_ =	shalt  }
0x59: {  	_ =	shalt  }
0x5a: {  	_ =	shalt  }
0x5b: {  	_ =	shalt  }
0x5c: {  	_ =	shalt  }
0x5d: {  	_ =	shalt  }
0x5e: {  	_ =	shalt  }
0x5f: {  	_ =	shalt  }
0x60: {  	_ =	shalt  }
0x61: {  	_ =	shalt  }
0x62: {  	_ =	shalt  }
0x63: {  	_ =	shalt  }
0x64: {  	_ =	shalt  }
0x65: {  	_ =	shalt  }
0x66: {  	_ =	shalt  }
0x67: {  	_ =	shalt  }
0x68: {  	_ =	shalt  }
0x69: {  	_ =	shalt  }
0x6a: {  	_ =	shalt  }
0x6b: {  	_ =	shalt  }
0x6c: {  	_ =	shalt  }
0x6d: {  	_ =	shalt  }
0x6e: {  	_ =	shalt  }
0x6f: {  	_ =	shalt  }
0x70: {  	_ =	shalt  }
0x71: {  	_ =	shalt  }
0x72: {  	_ =	shalt  }
0x73: {  	_ =	shalt  }
0x74: {  	_ =	shalt  }
0x75: {  	_ =	shalt  }
0x76: {  	_ =	shalt  }
0x77: {  	_ =	shalt  }
0x78: {  	_ =	shalt  }
0x79: {  	_ =	shalt  }
0x7a: {  	_ =	shalt  }
0x7b: {  	_ =	shalt  }
0x7c: {  	_ =	shalt  }
0x7d: {  	_ =	shalt  }
0x7e: {  	_ =	shalt  }
0x7f: {  	_ =	shalt  }
0x80: {  	_ =	shalt  }
0x81: {  	_ =	shalt  }
0x82: {  	_ =	shalt  }
0x83: {  	_ =	shalt  }
0x84: {  	_ =	shalt  }
0x85: {  	_ =	shalt  }
0x86: {  	_ =	shalt  }
0x87: {  	_ =	shalt  }
.Lfunc_end0:
.L_simem_size_0:
called_computation_lowered:
.L_overlay_start_0:
0x88: {  	s2 =	sld [smem:$0x3FD9]  }
0x89: {  	s3 =	sld [smem:$0x3FFE];
	_ =	sdelay $0x1  }
0x8a: {  	s1 =	srdreg.scid  }
0x8b: {  	s0 =	sand.u32 $0x1, s1  }
0x8c: {  	s14 =	sshll.u32 s0, $0xA;
	s2 =	sadd.s32 s3, s2  }
0x8d: {  	s2 =	sadd.s32 s2, s14  }
0x8e: {  	[smem:$0x3FC5] =	sst s2  }
0x8f: {  	_ = 	snop  }
0x90: {  	s2 =	sld [smem:$0x3FD0];
	_ =	sdelay $0x2  }
0x91: {  	s4 =	simm.s32 $0xA;
	s5 =	simm.s32 $0x10;
	s15 =	sld [smem:$0x3FC9]  }
0x92: {  	[smem:s5], [sflag:s4] =	dma.local [hbm:s2], $0x1  }
0x93: {  	_ =	swait.eq [sflag:s4], $0x1  }
0x94: {  	[sflag:s4] =	ssyncset.done $0x0  }
0x95: {  	s16 =	sld [smem:$0x10];
	[sflag:s4] =	ssyncadd.s32 $0xFFFFFFFF  }
0x96: {  	s17 =	sld [smem:$0x12];
	(tm) =	ssettm $0x1  }
0x97: {  	s18 =	sld [smem:$0x3FFB];
	_ =	sdelay $0x3  }
0x98: {  	_ =	strace s18  }
0x99: {  	s5 =	sld [smem:$0x3FFC];
	_ =	sdelay $0x3  }
0x9a: {  	_ =	strace s5  }
0x9b: {  	s5 =	sld [smem:$0x3FFD];
	_ =	sdelay $0x3  }
0x9c: {  	_ =	strace s5  }
0x9d: {  	_ =	strace $0x8FFFFFFF  }
0x9e: {  	s19 =	sld [smem:$0x3FDB];
	_ =	sdelay $0x1  }
0x9f: {  	s6 =	simm.s32 $_scs_section_size  }
0xa0: {  	s7 =	simm.s32 $_size__tile_overlayer_lowered;
	s8 =	simm.s32 $_tile_overlayer_lowered  }
0xa1: {  	s22 =	simm.s32 $0x1BFF;
	s21 =	sshll.u32 s8, $0x1;
	s5 =	sadd.s32 s6, s19  }
0xa2: {  	s9 =	simm.s32 $0x0;
	s20 =	sshll.u32 s7, $0x1;
	s7 =	sadd.s32 s21, s5  }
0xa3: {  	[timem:s9], [sflag:s22] =	dma.local [hbm:s7], s20  }
0xa4: {  	_ =	swait.ge [sflag:s22], s20  }
0xa5: {  	s6 =	ssub.s32 $0x0, s20;
	[sflag:s22] =	ssyncset.done $0x0  }
0xa6: {  	[sflag:s22] =	ssyncadd.s32 s6;
	_ =	sdelay $0x1  }
0xa7: {  	s23 =	simm.s32 $0x1B8B  }
0xa8: {  	_ =	swait.ge [sflag:s23], $0x1  }
0xa9: {  	[sflag:s23] =	ssyncset.done $0x0  }
0xaa: {  	s25 =	simm.s32 $0x1B8E;
	s24 =	sld [smem:$0x3FFE];
	[sflag:s23] =	ssyncadd.s32 $0xFFFFFFFF  }
0xab: {  	s26 =	simm.s32 $execute0_lowered;
	[smem:$0x3FD2] =	sst s25  }
0xac: {  	s7 =	sshll.u32 s26, $0x1;
	_ =	strace $0x80000046;
	[dreg:$0x1] =	wrdreg $0xFFFFFFFF  }
0xad: {  	s28 =	simm.s32 $_size_execute0_lowered;
	s5 =	sadd.s32 s5, s7;
	[dreg:$0x0] =	wrdreg $0x0  }
0xae: {  	s7 =	sshll.u32 s28, $0x1;
	[dreg:$0x2] =	wrdreg s5  }
0xaf: {  	[dreg:$0x3] =	wrdreg s7  }
0xb0: {  	[dreg:$0x4] =	wrdreg $0xC0  }
0xb1: {  	_ =	task [dreg:s9], $0x5FFFF  }
0xb2: {  	[dreg:$0x1] =	wrdreg $0xFFFFFFFF  }
0xb3: {  	[dreg:$0x0] =	wrdreg $0x60  }
0xb4: {  	[dreg:$0x2] =	wrdreg s15  }
0xb5: {  	[dreg:$0x3] =	wrdreg s24  }
0xb6: {  	[dreg:$0x4] =	wrdreg s17  }
0xb7: {  	[dreg:$0x5] =	wrdreg s16  }
0xb8: {  	[dreg:$0x6] =	wrdreg $0x9  }
0xb9: {  	_ =	task.clear_ibuf [dreg:s9], $0x7FFFF;
	_ =	strace $0x90000046  }
0xba: {  	s29 =	simm.s32 $0x9;
	_ =	strace $0x80000048  }
0xbb: {  	_ =	swait.ge [sflag:s29], $0x1  }
0xbc: {  	[sflag:s29] =	ssyncadd.s32 $0xFFFFFFFF  }
0xbd: {  	_ =	strace $0x90000048  }
0xbe: {  	_ =	sfence  }
0xbf: {  	s30 =	sld [smem:$0x0];
	_ =	sdelay $0x2  }
0xc0: {  	s31 =	sshll.u32 s1, $0xD;
	s1 =	sshrl.u32 s1, $0x2  }
0xc1: {  	s3 =	sand.u32 $0x4000, s31;
	s1 =	sadd.s32 s1, s30  }
0xc2: {  	s0 =	sor.u32 s3, s0;
	s1 =	sshll.u32 s1, $0x11  }
0xc3: {  	s0 =	sor.u32 s1, s0  }
0xc4: {  	s0 =	sadd.s32 $0x8F2B, s0  }
0xc5: {  	[sflag:s0] =	ssyncadd.remote.s32 $0x1  }
0xc6: {  	_ =	sfence.sel $0xFFFF  }
0xc7: {  	[dreg:$0x0] =	wrdreg $0xFFFFFFFF;
	(pc) =	sbr.abs _section_cstart, $3  }
0xc8: {  	[dreg:$0x1] =	wrdreg $0xFFFFFFFF  }
0xc9: {  	_ =	task.clear_ibuf [dreg:s9], $0x2FFFF;
	_ =	strace $0x9FFFFFFF  }
0xca: {  	(tm) =	ssettm $0x7FFFFFFF  }
0xcb: {  	_ =	shalt  }
tec
execute0_lowered:
.L_overlay_start_1:
0x0: {  	(tag) =	ssettag $0x1  }
0x1: {  	s2 =	srdreg.scid;
	s0 =	stileid.u32  }
0x2: {  	s1 =	rddreg [dreg:$0x0];
	s26 =	sand.u32 $0x1, s2;
	s31 =	sshll.u32 s0, $0x1  }
0x3: {  	s21 =	rddreg [dreg:$0x1];
	s2 =	sor.u32 s26, s31  }
0x4: {  	s6 =	rddreg [dreg:$0x2];
	s4 =	smul.u32 $0xA0, s2  }
0x5: {  	s23 =	rddreg [dreg:$0x3];
	s3 =	simm.s32 $0x0  }
0x6: {  	[smem:$0x7FF] =	sst s3;
	s19 =	smin.u32 s4, $0x12E8  }
0x7: {  	s2 =	rddreg [dreg:$0x4];
	s4 =	sshrl.u32 s19, $0x3  }
0x8: {  	_ =	strace $0x80000047;
	s5 =	sadd.s32 s6, s4;
	s4 =	simm.s32 $0x7  }
0x9: {  	[tilespmem:s3], [sflag:$0x7] =	stream.linear.gather [hbm4b:s5+s3], $0x50, $0x38;
	[tilespmem:$0x64A0] =	vst v63  }
0xa: {  	s25 =	sadd.s32 $0x50, s19;
	_ =	swait.ge [sflag:s4], $0x50  }
0xb: {  	s7 =	sshrl.u32 s25, $0x3;
	[sflag:s4] =	ssyncset.done $0x0  }
0xc: {  	s6 =	sadd.s32 s6, s7;
	s7 =	simm.s32 $0x50;
	[sflag:s4] =	ssyncadd.s32 $0xFFFFFFB0  }
0xd: {  	[tilespmem:s7], [sflag:$0x7] =	stream.linear.gather [hbm4b:s6+s3], $0x50, $0x38;
	[tilespmem:$0x64A0] =	vst v63  }
0xe: {  	_ =	swait.ge [sflag:s4], $0x50  }
0xf: {  	[sflag:s4] =	ssyncset.done $0x0  }
0x10: {  	s8 =	simm.s32 $0xA0;
	[sflag:s4] =	ssyncadd.s32 $0xFFFFFFB0  }
0x11: {  	[tilespmem:s8], [sflag:$0x1] =	stream.indirect.gather [hbm4b:s1+s7], $0x80, s3, s7, $0xb8;
	[tilespmem:$0x64A0] =	vst v63  }
0x12: {  	s10 =	simm.s32 $0x50A0;
	s9 =	sadd.s32 $0x5400, s21  }
0x13: {  	[tilespmem:s10], [sflag:$0x2] =	stream.indirect.gather [hbm4b:s9+s7], $0x10, s3, s7, $0xb8;
	[tilespmem:$0x64A0] =	vst v63  }
0x14: {  	s12 =	simm.s32 $0x5AA0;
	s11 =	sadd.s32 $0x400, s21  }
0x15: {  	[tilespmem:s12], [sflag:$0x3] =	stream.indirect.gather [hbm4b:s11+s7], $0x10, s3, s7, $0xb8;
	[tilespmem:$0x64A0] =	vst v63  }
0x16: {  	s13 =	simm.s32 $0x28A0  }
0x17: {  	[tilespmem:s13], [sflag:$0x4] =	stream.indirect.gather [hbm4b:s1+s7], $0x80, s7, s7, $0xb8;
	[tilespmem:$0x64A0] =	vst v63  }
0x18: {  	s14 =	simm.s32 $0x55A0  }
0x19: {  	[tilespmem:s14], [sflag:$0x5] =	stream.indirect.gather [hbm4b:s9+s7], $0x10, s7, s7, $0xb8;
	[tilespmem:$0x64A0] =	vst v63  }
0x1a: {  	s15 =	simm.s32 $0x5FA0;
	s16 =	simm.s32 $0x1  }
0x1b: {  	[tilespmem:s15], [sflag:$0x6] =	stream.indirect.gather [hbm4b:s11+s7], $0x10, s7, s7, $0xb8;
	[tilespmem:$0x64A0] =	vst v63  }
0x1c: {  	_ =	swait.ge [sflag:s16], $0x2800  }
0x1d: {  	s17 =	sshll.u32 s19, $0x4;
	[sflag:s16] =	ssyncset.done $0x0  }
0x1e: {  	s17 =	sadd.s32 s23, s17;
	[sflag:s16] =	ssyncadd.s32 $0xFFFFD800  }
0x1f: {  	[hbm4b:s17+s3] =	stream.linear.scatter [tilespmem:s8], [sflag:$0x7], $0x2800, $0x38;
	[tilespmem:$0x64A0] =	vst v63  }
0x20: {  	_ =	swait.ge [sflag:s4], $0x2800  }
0x21: {  	[sflag:s4] =	ssyncset.done $0x0  }
0x22: {  	s18 =	simm.s32 $0x2;
	[sflag:s4] =	ssyncadd.s32 $0xFFFFD800  }
0x23: {  	_ =	swait.ge [sflag:s18], $0x500  }
0x24: {  	s28 =	sadd.s32 $0xA400, s21;
	s22 =	sshll.u32 s19, $0x1;
	[sflag:s18] =	ssyncset.done $0x0  }
0x25: {  	s19 =	sadd.s32 s28, s22;
	[sflag:s18] =	ssyncadd.s32 $0xFFFFFB00  }
0x26: {  	[hbm4b:s19+s3] =	stream.linear.scatter [tilespmem:s10], [sflag:$0x7], $0x500, $0x38;
	[tilespmem:$0x64A0] =	vst v63  }
0x27: {  	_ =	swait.ge [sflag:s4], $0x500  }
0x28: {  	[sflag:s4] =	ssyncset.done $0x0  }
0x29: {  	s20 =	simm.s32 $0x3;
	[sflag:s4] =	ssyncadd.s32 $0xFFFFFB00  }
0x2a: {  	_ =	swait.ge [sflag:s20], $0x500  }
0x2b: {  	s29 =	sadd.s32 $0xCC00, s21;
	[sflag:s20] =	ssyncset.done $0x0  }
0x2c: {  	s21 =	sadd.s32 s29, s22;
	[sflag:s20] =	ssyncadd.s32 $0xFFFFFB00  }
0x2d: {  	[hbm4b:s21+s3] =	stream.linear.scatter [tilespmem:s12], [sflag:$0x7], $0x500, $0x38;
	[tilespmem:$0x64A0] =	vst v63  }
0x2e: {  	_ =	swait.ge [sflag:s4], $0x500  }
0x2f: {  	[sflag:s4] =	ssyncset.done $0x0  }
0x30: {  	s22 =	simm.s32 $0x4;
	[sflag:s4] =	ssyncadd.s32 $0xFFFFFB00  }
0x31: {  	_ =	swait.ge [sflag:s22], $0x2800  }
0x32: {  	s24 =	sshll.u32 s25, $0x4;
	[sflag:s22] =	ssyncset.done $0x0  }
0x33: {  	s23 =	sadd.s32 s23, s24;
	[sflag:s22] =	ssyncadd.s32 $0xFFFFD800  }
0x34: {  	[hbm4b:s23+s3] =	stream.linear.scatter [tilespmem:s13], [sflag:$0x7], $0x2800, $0x38;
	[tilespmem:$0x64A0] =	vst v63  }
0x35: {  	_ =	swait.ge [sflag:s4], $0x2800  }
0x36: {  	[sflag:s4] =	ssyncset.done $0x0  }
0x37: {  	s24 =	simm.s32 $0x5;
	[sflag:s4] =	ssyncadd.s32 $0xFFFFD800  }
0x38: {  	_ =	swait.ge [sflag:s24], $0x500  }
0x39: {  	s30 =	sshll.u32 s25, $0x1;
	[sflag:s24] =	ssyncset.done $0x0  }
0x3a: {  	s25 =	sadd.s32 s28, s30;
	s28 =	ssub.s32 $0x2, s26;
	[sflag:s24] =	ssyncadd.s32 $0xFFFFFB00  }
0x3b: {  	[hbm4b:s25+s3] =	stream.linear.scatter [tilespmem:s14], [sflag:$0x7], $0x500, $0x38;
	[tilespmem:$0x64A0] =	vst v63  }
0x3c: {  	s31 =	sshrl.u32 s28, $0x1;
	_ =	swait.ge [sflag:s4], $0x500  }
0x3d: {  	s26 =	simm.s32 $0x6;
	s31 =	ssub.s32 s28, s31;
	[sflag:s4] =	ssyncset.done $0x0  }
0x3e: {  	s28 =	sadd.s32 s29, s30;
	s29 =	smax.u32 s31, $0x1;
	[sflag:s4] =	ssyncadd.s32 $0xFFFFFB00  }
0x3f: {  	p0 =	sne.s32 s29, $0x1;
	_ =	swait.ge [sflag:s26], $0x500  }
.Ltmp0:
0x40: {  	[sflag:s26] =	ssyncset.done $0x0;
	(pc) =	sbr.rel @!p0 .LBB2_2-.Ltmp0, $4  }
0x41: {  	[sflag:s26] =	ssyncadd.s32 $0xFFFFFB00  }
0x42: {  	[hbm4b:s28+s3] =	stream.linear.scatter [tilespmem:s15], [sflag:$0x7], $0x500, $0x38;
	[tilespmem:$0x64A0] =	vst v63  }
0x43: {  	_ =	swait.ge [sflag:s4], $0x500  }
0x44: {  	s29 =	sadd.s32 $0xFFFFFFFF, s29;
	[sflag:s4] =	ssyncset.done $0x0  }
.LBB2_1:
0x45: {  	p0 =	sne.s32 s29, $0x1;
	s29 =	sadd.s32 $0xFFFFFFFF, s29;
	[sflag:s4] =	ssyncadd.s32 $0xFFFFFB00  }
0x46: {  	[tilespmem:s3], [sflag:$0x7] =	stream.linear.gather [hbm4b:s5+s3], $0x50, $0x38;
	[tilespmem:$0x64A0] =	vst v63  }
0x47: {  	_ =	swait.ge [sflag:s4], $0x50  }
0x48: {  	[sflag:s4] =	ssyncset.done $0x0  }
0x49: {  	[sflag:s4] =	ssyncadd.s32 $0xFFFFFFB0  }
0x4a: {  	[tilespmem:s7], [sflag:$0x7] =	stream.linear.gather [hbm4b:s6+s3], $0x50, $0x38;
	[tilespmem:$0x64A0] =	vst v63  }
0x4b: {  	_ =	swait.ge [sflag:s4], $0x50  }
0x4c: {  	[sflag:s4] =	ssyncset.done $0x0  }
0x4d: {  	[sflag:s4] =	ssyncadd.s32 $0xFFFFFFB0  }
0x4e: {  	[tilespmem:s8], [sflag:$0x1] =	stream.indirect.gather [hbm4b:s1+s7], $0x80, s3, s7, $0xb8;
	[tilespmem:$0x64A0] =	vst v63  }
0x4f: {  	_ = 	snop  }
0x50: {  	[tilespmem:s10], [sflag:$0x2] =	stream.indirect.gather [hbm4b:s9+s7], $0x10, s3, s7, $0xb8;
	[tilespmem:$0x64A0] =	vst v63  }
0x51: {  	_ = 	snop  }
0x52: {  	[tilespmem:s12], [sflag:$0x3] =	stream.indirect.gather [hbm4b:s11+s7], $0x10, s3, s7, $0xb8;
	[tilespmem:$0x64A0] =	vst v63  }
0x53: {  	_ = 	snop  }
0x54: {  	[tilespmem:s13], [sflag:$0x4] =	stream.indirect.gather [hbm4b:s1+s7], $0x80, s7, s7, $0xb8;
	[tilespmem:$0x64A0] =	vst v63  }
0x55: {  	_ = 	snop  }
0x56: {  	[tilespmem:s14], [sflag:$0x5] =	stream.indirect.gather [hbm4b:s9+s7], $0x10, s7, s7, $0xb8;
	[tilespmem:$0x64A0] =	vst v63  }
0x57: {  	_ = 	snop  }
0x58: {  	[tilespmem:s15], [sflag:$0x6] =	stream.indirect.gather [hbm4b:s11+s7], $0x10, s7, s7, $0xb8;
	[tilespmem:$0x64A0] =	vst v63  }
0x59: {  	_ =	swait.ge [sflag:s16], $0x2800  }
0x5a: {  	[sflag:s16] =	ssyncset.done $0x0  }
0x5b: {  	[sflag:s16] =	ssyncadd.s32 $0xFFFFD800  }
0x5c: {  	[hbm4b:s17+s3] =	stream.linear.scatter [tilespmem:s8], [sflag:$0x7], $0x2800, $0x38;
	[tilespmem:$0x64A0] =	vst v63  }
0x5d: {  	_ =	swait.ge [sflag:s4], $0x2800  }
0x5e: {  	[sflag:s4] =	ssyncset.done $0x0  }
0x5f: {  	[sflag:s4] =	ssyncadd.s32 $0xFFFFD800  }
0x60: {  	_ =	swait.ge [sflag:s18], $0x500  }
0x61: {  	[sflag:s18] =	ssyncset.done $0x0  }
0x62: {  	[sflag:s18] =	ssyncadd.s32 $0xFFFFFB00  }
0x63: {  	[hbm4b:s19+s3] =	stream.linear.scatter [tilespmem:s10], [sflag:$0x7], $0x500, $0x38;
	[tilespmem:$0x64A0] =	vst v63  }
0x64: {  	_ =	swait.ge [sflag:s4], $0x500  }
0x65: {  	[sflag:s4] =	ssyncset.done $0x0  }
0x66: {  	[sflag:s4] =	ssyncadd.s32 $0xFFFFFB00  }
0x67: {  	_ =	swait.ge [sflag:s20], $0x500  }
0x68: {  	[sflag:s20] =	ssyncset.done $0x0  }
0x69: {  	[sflag:s20] =	ssyncadd.s32 $0xFFFFFB00  }
0x6a: {  	[hbm4b:s21+s3] =	stream.linear.scatter [tilespmem:s12], [sflag:$0x7], $0x500, $0x38;
	[tilespmem:$0x64A0] =	vst v63  }
0x6b: {  	_ =	swait.ge [sflag:s4], $0x500  }
0x6c: {  	[sflag:s4] =	ssyncset.done $0x0  }
0x6d: {  	[sflag:s4] =	ssyncadd.s32 $0xFFFFFB00  }
0x6e: {  	_ =	swait.ge [sflag:s22], $0x2800  }
0x6f: {  	[sflag:s22] =	ssyncset.done $0x0  }
0x70: {  	[sflag:s22] =	ssyncadd.s32 $0xFFFFD800  }
0x71: {  	[hbm4b:s23+s3] =	stream.linear.scatter [tilespmem:s13], [sflag:$0x7], $0x2800, $0x38;
	[tilespmem:$0x64A0] =	vst v63  }
0x72: {  	_ =	swait.ge [sflag:s4], $0x2800  }
0x73: {  	[sflag:s4] =	ssyncset.done $0x0  }
0x74: {  	[sflag:s4] =	ssyncadd.s32 $0xFFFFD800  }
0x75: {  	_ =	swait.ge [sflag:s24], $0x500  }
0x76: {  	[sflag:s24] =	ssyncset.done $0x0  }
0x77: {  	[sflag:s24] =	ssyncadd.s32 $0xFFFFFB00  }
0x78: {  	[hbm4b:s25+s3] =	stream.linear.scatter [tilespmem:s14], [sflag:$0x7], $0x500, $0x38;
	[tilespmem:$0x64A0] =	vst v63  }
0x79: {  	_ =	swait.ge [sflag:s4], $0x500  }
0x7a: {  	[sflag:s4] =	ssyncset.done $0x0  }
0x7b: {  	[sflag:s4] =	ssyncadd.s32 $0xFFFFFB00  }
0x7c: {  	_ =	swait.ge [sflag:s26], $0x500  }
.Ltmp1:
0x7d: {  	[sflag:s26] =	ssyncset.done $0x0;
	(pc) =	sbr.rel @p0 .LBB2_1-.Ltmp1, $4  }
0x7e: {  	[sflag:s26] =	ssyncadd.s32 $0xFFFFFB00  }
0x7f: {  	[hbm4b:s28+s3] =	stream.linear.scatter [tilespmem:s15], [sflag:$0x7], $0x500, $0x38;
	[tilespmem:$0x64A0] =	vst v63  }
0x80: {  	_ =	swait.ge [sflag:s4], $0x500  }
0x81: {  	[sflag:s4] =	ssyncset.done $0x0  }
.LBB2_2:
0x82: {  	[sflag:s4] =	ssyncadd.s32 $0xFFFFFB00  }
0x83: {  	_ =	sfence.sel $0x180000  }
0x84: {  	[bflag:$0x0] =	sbarrier.arrive $0xFFFF  }
0x85: {  	p0 =	sne.s32 s0, $0x0;
	_ =	strace $0x90000047  }
0x86: {  	s0 =	sadd.s32 @!p0 $0x100000, s2;
	[bflag:$0x2] =	sbarrier.arrive $0xFFFF  }
0x87: {  	[sflag:s0] =	ssyncadd.tile.s32 @!p0 $0x1;
	_ =	shalt  }
.Lfunc_end2:
_tile_overlayer_lowered:
.L_overlay_start_2:
0x88: {  	(tag) =	ssettag $0x2  }
0x89: {  	s0 =	rddreg [dreg:$0x0];
	s2 =	stileid.u32  }
0x8a: {  	s1 =	rddreg [dreg:$0x1];
	p0 =	sne.s32 s2, $0x0  }
0x8b: {  	s3 =	rddreg [dreg:$0x2];
	[bflag:$0x3] =	sbarrier.arrive $0xFFFF;
	s2 =	simm.s32 @!p0 $0x1C07  }
0x8c: {  	[timem:s3], [sflag:s2] =	dma.local @!p0 [hbm:s0], s1  }
0x8d: {  	s0 =	simm.s32 @!p0 $0x7  }
0x8e: {  	_ =	swait.ge @!p0 [sflag:s0], s1  }
0x8f: {  	s1 =	ssub.s32 @!p0 $0x0, s1;
	[sflag:s0] =	ssyncset.done @!p0 $0x0  }
0x90: {  	[sflag:s0] =	ssyncadd.s32 @!p0 s1  }
0x91: {  	[bflag:$0x3] =	sbarrier.arrive $0xFFFF  }
0x92: {  	_ =	shalt  }

</sc_bundles>
